<compile_context>
chip_gen: v7x
topology: tpu7x:2x2x1
jax: 0.10.2.dev20260603
libtpu: 0.0.44.dev20260713+nightly
codegen_flags: <defaults>
</compile_context>

<pallas_src>
import functools

import jax
import jax.numpy as jnp
from jax import lax
from jax.experimental import pallas as pl
from jax.experimental.pallas import tpu as pltpu
from jax.experimental.pallas import tpu_sc as plsc

_B = 4
_C = 384
_H = 224
_W = 224
_HW = _H * _W
_R = 48
_E = 64
_K = 8
_EPS = 1e-5

_TCB = 3
_HBLK = 14
_CPB = _H // _HBLK
_NCHUNK = _TCB * _CPB
_NBUF = 4

_NW = 32
_RPW = _H // _NW
_PIX = 112
_NCK = _RPW * 2
_NG = _C // 16


def _pool_tc_body(xt_ref, sums_out, r0, r1, r2, r3, sems):
    rings = (r0, r1, r2, r3)

    def start(i, j):
        b = i // _CPB
        h = i % _CPB
        pltpu.make_async_copy(
            xt_ref.at[b, pl.ds(h * _HBLK, _HBLK)],
            rings[j],
            sems.at[j],
        ).start()

    for i in range(_NBUF - 1):
        start(i, i)

    def group(g, _):
        for j in range(_NBUF):
            i = _NBUF * g + j
            pltpu.make_async_copy(
                xt_ref.at[0, pl.ds(0, _HBLK)],
                rings[j],
                sems.at[j],
            ).wait()

            @pl.when(i + _NBUF - 1 < _NCHUNK)
            def _prefetch():
                start(i + _NBUF - 1, (j + _NBUF - 1) % _NBUF)

            s = jnp.sum(rings[j][...], axis=0)
            part = jnp.sum(s, axis=0)
            b = i // _CPB

            @pl.when(i % _CPB == 0)
            def _init():
                sums_out[b, :] = part

            @pl.when(i % _CPB != 0)
            def _acc():
                sums_out[b, :] += part
        return _

    jax.lax.fori_loop(0, _NCHUNK // _NBUF, group, None)


def _pool_sc_body(xt_hbm, out_hbm, b0, b1, acc_v, sem0, sem1):
    cid = lax.axis_index("c")
    sid = lax.axis_index("s")
    wid = sid * 2 + cid
    base = wid * _RPW
    bufs = (b0, b1)
    sems = (sem0, sem1)

    def start(k, slot):
        r = base + k // 2
        h0 = (k % 2) * _PIX
        pltpu.make_async_copy(
            xt_hbm.at[_B - 1, r, pl.ds(h0, _PIX)],
            bufs[slot],
            sems[slot],
        ).start()

    def wait(slot):
        pltpu.make_async_copy(
            xt_hbm.at[_B - 1, 0, pl.ds(0, _PIX)],
            bufs[slot],
            sems[slot],
        ).wait()

    def consume(slot, accs):
        buf = bufs[slot]

        def px(p, a):
            return tuple(a[g] + buf[p, pl.ds(16 * g, 16)] for g in range(_NG))

        return jax.lax.fori_loop(0, _PIX, px, accs)

    start(0, 0)
    start(1, 1)
    accs = tuple(jnp.zeros((16,), jnp.float32) for _ in range(_NG))

    def grp(g, accs):
        k0 = 2 * g
        wait(0)

        @pl.when(k0 + 2 < _NCK)
        def _p0():
            start(k0 + 2, 0)

        accs = consume(0, accs)
        wait(1)

        @pl.when(k0 + 3 < _NCK)
        def _p1():
            start(k0 + 3, 1)

        accs = consume(1, accs)
        return accs

    accs = jax.lax.fori_loop(0, _NCK // 2, grp, accs)
    for g in range(_NG):
        acc_v[pl.ds(16 * g, 16)] = accs[g]
    pltpu.sync_copy(acc_v, out_hbm.at[wid])


def _route_body(tc_ref, sc_ref, w1_ref, b1_ref, w2_ref, b2_ref,
                vals_ref, idx_ref):
    b3 = jnp.sum(sc_ref[...], axis=0)[None, :]
    pooled = jnp.concatenate([tc_ref[...], b3], axis=0)
    hid = jax.lax.dot_general(pooled, w1_ref[...], (((1,), (1,)), ((), ())),
                              preferred_element_type=jnp.float32)
    hid = hid + b1_ref[...]
    hid = hid * jax.nn.sigmoid(hid)
    logits = jax.lax.dot_general(hid, w2_ref[...], (((1,), (1,)), ((), ())),
                                 preferred_element_type=jnp.float32)
    logits = logits + b2_ref[...]
    m = jnp.max(logits, axis=1, keepdims=True)
    e = jnp.exp(logits - m)
    probs = e / jnp.sum(e, axis=1, keepdims=True)

    pa = probs[:, :, None]
    pb = probs[:, None, :]
    ks = jax.lax.broadcasted_iota(jnp.int32, (_B, _E, _E), 1)
    js = jax.lax.broadcasted_iota(jnp.int32, (_B, _E, _E), 2)
    beats = (pa > pb) | ((pa == pb) & (ks < js))
    rank = jnp.sum(beats.astype(jnp.int32), axis=1)

    iota = jax.lax.broadcasted_iota(jnp.int32, (_B, _E), 1)
    vals = []
    idxs = []
    for s in range(_K):
        sel = rank == s
        vals.append(jnp.sum(jnp.where(sel, probs, 0.0), axis=1, keepdims=True))
        idxs.append(jnp.sum(jnp.where(sel, iota, 0), axis=1, keepdims=True))
    v = jnp.concatenate(vals, axis=1)
    i = jnp.concatenate(idxs, axis=1)
    ssum = jnp.sum(v, axis=1, keepdims=True) + 1e-6
    vals_ref[...] = v / ssum
    idx_ref[...] = i


@jax.jit
def kernel(x, W1, gamma1, beta1, mean1, var1, W2, gamma2, beta2, mean2, var2):
    s1 = gamma1 * jax.lax.rsqrt(var1 + _EPS)
    s2 = gamma2 * jax.lax.rsqrt(var2 + _EPS)
    w1 = (W1 * s1[:, None]) * (1.0 / _HW)
    b1 = (beta1 - mean1 * s1)[None, :]
    w2 = W2 * s2[:, None]
    b2 = (beta2 - mean2 * s2)[None, :]

    xt = jnp.transpose(x, (0, 2, 3, 1))

    tc_sums = pl.pallas_call(
        _pool_tc_body,
        in_specs=[pl.BlockSpec(memory_space=pl.ANY)],
        out_specs=pl.BlockSpec(memory_space=pltpu.VMEM),
        out_shape=jax.ShapeDtypeStruct((_TCB, _C), jnp.float32),
        scratch_shapes=[
            pltpu.VMEM((_HBLK, _W, _C), jnp.float32),
            pltpu.VMEM((_HBLK, _W, _C), jnp.float32),
            pltpu.VMEM((_HBLK, _W, _C), jnp.float32),
            pltpu.VMEM((_HBLK, _W, _C), jnp.float32),
            pltpu.SemaphoreType.DMA((_NBUF,)),
        ],
    )(xt)

    sc_pool = functools.partial(
        pl.kernel,
        out_type=jax.ShapeDtypeStruct((_NW, _C), jnp.float32),
        mesh=plsc.VectorSubcoreMesh(core_axis_name="c", subcore_axis_name="s"),
        scratch_types=[
            pltpu.VMEM((_PIX, _C), jnp.float32),
            pltpu.VMEM((_PIX, _C), jnp.float32),
            pltpu.VMEM((_C,), jnp.float32),
            pltpu.SemaphoreType.DMA,
            pltpu.SemaphoreType.DMA,
        ],
    )(_pool_sc_body)
    sc_parts = sc_pool(xt)

    vals, idxs = pl.pallas_call(
        _route_body,
        out_shape=(
            jax.ShapeDtypeStruct((_B, _K), jnp.float32),
            jax.ShapeDtypeStruct((_B, _K), jnp.int32),
        ),
    )(tc_sums, sc_parts, w1, b1, w2, b2)
    return vals, idxs

# --- scband reference (transcript-rebuilt; emitter-appended) ---
"""Pipeline reference for scband-adaptive-routing-layer-11390253269268 (READ-ONLY COPY).

The authoritative reference and input builder live on the scoring server;
editing this copy changes nothing except your own understanding.
"""

import jax, jax.numpy as jnp
import numpy as np

IN_CHANNELS = 384
NUM_EXPERTS = 64
REDUCTION = 8
TOP_K = 8
REDUCED = max(IN_CHANNELS // REDUCTION, 8)
BN_EPS = 1e-5


def setup_inputs(seed: int = 0) -> dict:
    key = jax.random.key(seed)
    ks = jax.random.split(key, 10)
    x = jax.random.normal(ks[0], (4, IN_CHANNELS, 224, 224), dtype=jnp.float32)
    W1 = jax.random.normal(ks[1], (REDUCED, IN_CHANNELS), dtype=jnp.float32) * (1.0 / np.sqrt(IN_CHANNELS))
    gamma1 = jnp.ones((REDUCED,), dtype=jnp.float32)
    beta1 = jnp.zeros((REDUCED,), dtype=jnp.float32)
    mean1 = jax.random.normal(ks[2], (REDUCED,), dtype=jnp.float32) * 0.01
    var1 = jax.random.uniform(ks[3], (REDUCED,), dtype=jnp.float32, minval=0.5, maxval=1.5)
    W2 = jax.random.normal(ks[4], (NUM_EXPERTS, REDUCED), dtype=jnp.float32) * (1.0 / np.sqrt(REDUCED))
    gamma2 = jnp.ones((NUM_EXPERTS,), dtype=jnp.float32)
    beta2 = jnp.zeros((NUM_EXPERTS,), dtype=jnp.float32)
    mean2 = jax.random.normal(ks[5], (NUM_EXPERTS,), dtype=jnp.float32) * 0.01
    var2 = jax.random.uniform(ks[6], (NUM_EXPERTS,), dtype=jnp.float32, minval=0.5, maxval=1.5)
    return {"x": x, "W1": W1, "gamma1": gamma1, "beta1": beta1, "mean1": mean1, "var1": var1,
            "W2": W2, "gamma2": gamma2, "beta2": beta2, "mean2": mean2, "var2": var2}


def reference(x, W1, gamma1, beta1, mean1, var1, W2, gamma2, beta2, mean2, var2):
    # AdaptiveAvgPool2d(1): global average over H, W -> [B, C]
    pooled = jnp.mean(x, axis=(2, 3))
    # Conv2d(in, reduced, 1, bias=False) on 1x1 spatial == matmul
    h = pooled @ W1.T
    # BatchNorm2d eval mode with running stats
    h = (h - mean1) / jnp.sqrt(var1 + BN_EPS) * gamma1 + beta1
    # SiLU
    h = h * jax.nn.sigmoid(h)
    # Conv2d(reduced, num_experts, 1, bias=False)
    logits = h @ W2.T
    logits = (logits - mean2) / jnp.sqrt(var2 + BN_EPS) * gamma2 + beta2
    # eval mode: no noise. softmax over experts
    probs = jax.nn.softmax(logits, axis=1)
    topk_vals, topk_indices = jax.lax.top_k(probs, TOP_K)
    sum_vals = jnp.sum(topk_vals, axis=1, keepdims=True) + 1e-6
    topk_vals = topk_vals / sum_vals
    return topk_vals, topk_indices

if __name__ == "__main__":
    import jax
    _d = setup_inputs()
    print(jax.jit(kernel)(*tuple(_d.values())))

</pallas_src>

<mosaic_0001>
#map = affine_map<(d0, d1) -> (0, 0, 0, 0)>
#map1 = affine_map<(d0, d1) -> (0, 0)>
module attributes {stable_mosaic.version = 14 : i64} {
  func.func @_pool_sc_body(%arg0: i32, %arg1: i32, %arg2: memref<4x224x224x384xf32, #tpu.memory_space<hbm>>, %arg3: memref<32x384xf32, #tpu.memory_space<hbm>>, %arg4: memref<112x384xf32, #tpu.memory_space<vmem>>, %arg5: memref<112x384xf32, #tpu.memory_space<vmem>>, %arg6: memref<384xf32, #tpu.memory_space<vmem>>, %arg7: memref<!tpu.dma_semaphore, #tpu.memory_space<semaphore_mem>>, %arg8: memref<!tpu.dma_semaphore, #tpu.memory_space<semaphore_mem>>) attributes {dimension_semantics = [#tpu.dimension_semantics<core_parallel>, #tpu.dimension_semantics<subcore_parallel>], iteration_bounds = array<i64: 2, 16>, scalar_prefetch = 0 : i64, scratch_operands = 5 : i64, tpu.core_type = #tpu.core_type<sc_vector_subcore>, window_params = [{transform_indices = #map}, {transform_indices = #map1}]} {
    %mul3A = arith.constant 2 : i32
    %mul3A_0 = arith.muli %arg1, %mul3A : i32
    %add3A = arith.addi %mul3A_0, %arg0 : i32
    %mul3A_1 = arith.constant 7 : i32
    %mul3A_2 = arith.muli %add3A, %mul3A_1 : i32
    %add3A_3 = arith.constant 0 : i32
    %add3A_4 = arith.addi %mul3A_2, %add3A_3 : i32
    %dma_start3A = arith.constant 3 : i32
    %dma_start3A_5 = arith.constant 0 : i32
    %dma_start3A_6 = arith.constant 0 : i32
    %dma_start3A_7 = tpu.memref_slice %arg2[%dma_start3A, %add3A_4, %dma_start3A_5, %dma_start3A_6] : memref<4x224x224x384xf32, #tpu.memory_space<hbm>> -> memref<1x1x112x384xf32, #tpu.memory_space<hbm>>
    %dma_start3A_8 = tpu.memref_squeeze %dma_start3A_7 : memref<1x1x112x384xf32, #tpu.memory_space<hbm>> -> memref<112x384xf32, #tpu.memory_space<hbm>>
    %dma_start3A_9 = arith.constant 0 : i32
    %dma_start3A_10 = arith.constant 0 : i32
    %dma_start3A_11 = tpu.memref_slice %arg2[%dma_start3A, %add3A_4, %dma_start3A_9, %dma_start3A_10] : memref<4x224x224x384xf32, #tpu.memory_space<hbm>> -> memref<1x1x112x384xf32, #tpu.memory_space<hbm>>
    %dma_start3A_12 = tpu.memref_squeeze %dma_start3A_11 : memref<1x1x112x384xf32, #tpu.memory_space<hbm>> -> memref<112x384xf32, #tpu.memory_space<hbm>>
    tpu.enqueue_dma source(%dma_start3A_12 : memref<112x384xf32, #tpu.memory_space<hbm>>) target(%arg4 : memref<112x384xf32, #tpu.memory_space<vmem>>) target_semaphore(%arg7 : memref<!tpu.dma_semaphore, #tpu.memory_space<semaphore_mem>>)
    %add3A_13 = arith.constant 0 : i32
    %add3A_14 = arith.addi %mul3A_2, %add3A_13 : i32
    %dma_start3A_15 = arith.constant 3 : i32
    %dma_start3A_16 = arith.constant 112 : i32
    %dma_start3A_17 = arith.constant 0 : i32
    %dma_start3A_18 = tpu.memref_slice %arg2[%dma_start3A_15, %add3A_14, %dma_start3A_16, %dma_start3A_17] : memref<4x224x224x384xf32, #tpu.memory_space<hbm>> -> memref<1x1x112x384xf32, #tpu.memory_space<hbm>>
    %dma_start3A_19 = tpu.memref_squeeze %dma_start3A_18 : memref<1x1x112x384xf32, #tpu.memory_space<hbm>> -> memref<112x384xf32, #tpu.memory_space<hbm>>
    %dma_start3A_20 = arith.constant 112 : i32
    %dma_start3A_21 = arith.constant 0 : i32
    %dma_start3A_22 = tpu.memref_slice %arg2[%dma_start3A_15, %add3A_14, %dma_start3A_20, %dma_start3A_21] : memref<4x224x224x384xf32, #tpu.memory_space<hbm>> -> memref<1x1x112x384xf32, #tpu.memory_space<hbm>>
    %dma_start3A_23 = tpu.memref_squeeze %dma_start3A_22 : memref<1x1x112x384xf32, #tpu.memory_space<hbm>> -> memref<112x384xf32, #tpu.memory_space<hbm>>
    tpu.enqueue_dma source(%dma_start3A_23 : memref<112x384xf32, #tpu.memory_space<hbm>>) target(%arg5 : memref<112x384xf32, #tpu.memory_space<vmem>>) target_semaphore(%arg8 : memref<!tpu.dma_semaphore, #tpu.memory_space<semaphore_mem>>)
    %broadcast_in_dim3A = arith.constant 0.000000e+00 : f32
    %broadcast_in_dim3A_24 = vector.broadcast %broadcast_in_dim3A : f32 to vector<16xf32>
    %broadcast_in_dim3A_25 = arith.constant 0.000000e+00 : f32
    %broadcast_in_dim3A_26 = vector.broadcast %broadcast_in_dim3A_25 : f32 to vector<16xf32>
    %broadcast_in_dim3A_27 = arith.constant 0.000000e+00 : f32
    %broadcast_in_dim3A_28 = vector.broadcast %broadcast_in_dim3A_27 : f32 to vector<16xf32>
    %broadcast_in_dim3A_29 = arith.constant 0.000000e+00 : f32
    %broadcast_in_dim3A_30 = vector.broadcast %broadcast_in_dim3A_29 : f32 to vector<16xf32>
    %broadcast_in_dim3A_31 = arith.constant 0.000000e+00 : f32
    %broadcast_in_dim3A_32 = vector.broadcast %broadcast_in_dim3A_31 : f32 to vector<16xf32>
    %broadcast_in_dim3A_33 = arith.constant 0.000000e+00 : f32
    %broadcast_in_dim3A_34 = vector.broadcast %broadcast_in_dim3A_33 : f32 to vector<16xf32>
    %broadcast_in_dim3A_35 = arith.constant 0.000000e+00 : f32
    %broadcast_in_dim3A_36 = vector.broadcast %broadcast_in_dim3A_35 : f32 to vector<16xf32>
    %broadcast_in_dim3A_37 = arith.constant 0.000000e+00 : f32
    %broadcast_in_dim3A_38 = vector.broadcast %broadcast_in_dim3A_37 : f32 to vector<16xf32>
    %broadcast_in_dim3A_39 = arith.constant 0.000000e+00 : f32
    %broadcast_in_dim3A_40 = vector.broadcast %broadcast_in_dim3A_39 : f32 to vector<16xf32>
    %broadcast_in_dim3A_41 = arith.constant 0.000000e+00 : f32
    %broadcast_in_dim3A_42 = vector.broadcast %broadcast_in_dim3A_41 : f32 to vector<16xf32>
    %broadcast_in_dim3A_43 = arith.constant 0.000000e+00 : f32
    %broadcast_in_dim3A_44 = vector.broadcast %broadcast_in_dim3A_43 : f32 to vector<16xf32>
    %broadcast_in_dim3A_45 = arith.constant 0.000000e+00 : f32
    %broadcast_in_dim3A_46 = vector.broadcast %broadcast_in_dim3A_45 : f32 to vector<16xf32>
    %broadcast_in_dim3A_47 = arith.constant 0.000000e+00 : f32
    %broadcast_in_dim3A_48 = vector.broadcast %broadcast_in_dim3A_47 : f32 to vector<16xf32>
    %broadcast_in_dim3A_49 = arith.constant 0.000000e+00 : f32
    %broadcast_in_dim3A_50 = vector.broadcast %broadcast_in_dim3A_49 : f32 to vector<16xf32>
    %broadcast_in_dim3A_51 = arith.constant 0.000000e+00 : f32
    %broadcast_in_dim3A_52 = vector.broadcast %broadcast_in_dim3A_51 : f32 to vector<16xf32>
    %broadcast_in_dim3A_53 = arith.constant 0.000000e+00 : f32
    %broadcast_in_dim3A_54 = vector.broadcast %broadcast_in_dim3A_53 : f32 to vector<16xf32>
    %broadcast_in_dim3A_55 = arith.constant 0.000000e+00 : f32
    %broadcast_in_dim3A_56 = vector.broadcast %broadcast_in_dim3A_55 : f32 to vector<16xf32>
    %broadcast_in_dim3A_57 = arith.constant 0.000000e+00 : f32
    %broadcast_in_dim3A_58 = vector.broadcast %broadcast_in_dim3A_57 : f32 to vector<16xf32>
    %broadcast_in_dim3A_59 = arith.constant 0.000000e+00 : f32
    %broadcast_in_dim3A_60 = vector.broadcast %broadcast_in_dim3A_59 : f32 to vector<16xf32>
    %broadcast_in_dim3A_61 = arith.constant 0.000000e+00 : f32
    %broadcast_in_dim3A_62 = vector.broadcast %broadcast_in_dim3A_61 : f32 to vector<16xf32>
    %broadcast_in_dim3A_63 = arith.constant 0.000000e+00 : f32
    %broadcast_in_dim3A_64 = vector.broadcast %broadcast_in_dim3A_63 : f32 to vector<16xf32>
    %broadcast_in_dim3A_65 = arith.constant 0.000000e+00 : f32
    %broadcast_in_dim3A_66 = vector.broadcast %broadcast_in_dim3A_65 : f32 to vector<16xf32>
    %broadcast_in_dim3A_67 = arith.constant 0.000000e+00 : f32
    %broadcast_in_dim3A_68 = vector.broadcast %broadcast_in_dim3A_67 : f32 to vector<16xf32>
    %broadcast_in_dim3A_69 = arith.constant 0.000000e+00 : f32
    %broadcast_in_dim3A_70 = vector.broadcast %broadcast_in_dim3A_69 : f32 to vector<16xf32>
    %scan3A = arith.constant 0 : i32
    %scan3A_71 = arith.constant 7 : i32
    %scan3A_72 = arith.addi %scan3A, %scan3A_71 : i32
    %scan3A_73 = arith.constant 1 : i32
    %scan3A_74:24 = scf.for %scan3A_171 = %scan3A to %scan3A_72 step %scan3A_73 iter_args(%scan3A_172 = %broadcast_in_dim3A_24, %scan3A_173 = %broadcast_in_dim3A_26, %scan3A_174 = %broadcast_in_dim3A_28, %scan3A_175 = %broadcast_in_dim3A_30, %scan3A_176 = %broadcast_in_dim3A_32, %scan3A_177 = %broadcast_in_dim3A_34, %scan3A_178 = %broadcast_in_dim3A_36, %scan3A_179 = %broadcast_in_dim3A_38, %scan3A_180 = %broadcast_in_dim3A_40, %scan3A_181 = %broadcast_in_dim3A_42, %scan3A_182 = %broadcast_in_dim3A_44, %scan3A_183 = %broadcast_in_dim3A_46, %scan3A_184 = %broadcast_in_dim3A_48, %scan3A_185 = %broadcast_in_dim3A_50, %scan3A_186 = %broadcast_in_dim3A_52, %scan3A_187 = %broadcast_in_dim3A_54, %scan3A_188 = %broadcast_in_dim3A_56, %scan3A_189 = %broadcast_in_dim3A_58, %scan3A_190 = %broadcast_in_dim3A_60, %scan3A_191 = %broadcast_in_dim3A_62, %scan3A_192 = %broadcast_in_dim3A_64, %scan3A_193 = %broadcast_in_dim3A_66, %scan3A_194 = %broadcast_in_dim3A_68, %scan3A_195 = %broadcast_in_dim3A_70) -> (vector<16xf32>, vector<16xf32>, vector<16xf32>, vector<16xf32>, vector<16xf32>, vector<16xf32>, vector<16xf32>, vector<16xf32>, vector<16xf32>, vector<16xf32>, vector<16xf32>, vector<16xf32>, vector<16xf32>, vector<16xf32>, vector<16xf32>, vector<16xf32>, vector<16xf32>, vector<16xf32>, vector<16xf32>, vector<16xf32>, vector<16xf32>, vector<16xf32>, vector<16xf32>, vector<16xf32>)  : i32 {
      %mul3A_196 = arith.constant 2 : i32
      %mul3A_197 = arith.muli %mul3A_196, %scan3A_171 : i32
      %dma_wait3A = arith.constant 3 : i32
      %dma_wait3A_198 = arith.constant 0 : i32
      %dma_wait3A_199 = arith.constant 0 : i32
      %dma_wait3A_200 = arith.constant 0 : i32
      %dma_wait3A_201 = tpu.memref_slice %arg2[%dma_wait3A, %dma_wait3A_198, %dma_wait3A_199, %dma_wait3A_200] : memref<4x224x224x384xf32, #tpu.memory_space<hbm>> -> memref<1x1x112x384xf32, #tpu.memory_space<hbm>>
      %dma_wait3A_202 = tpu.memref_squeeze %dma_wait3A_201 : memref<1x1x112x384xf32, #tpu.memory_space<hbm>> -> memref<112x384xf32, #tpu.memory_space<hbm>>
      %dma_wait3A_203 = arith.constant 0 : i32
      %dma_wait3A_204 = arith.constant 0 : i32
      %dma_wait3A_205 = tpu.memref_slice %arg2[%dma_wait3A, %dma_wait3A_198, %dma_wait3A_203, %dma_wait3A_204] : memref<4x224x224x384xf32, #tpu.memory_space<hbm>> -> memref<1x1x112x384xf32, #tpu.memory_space<hbm>>
      %dma_wait3A_206 = tpu.memref_squeeze %dma_wait3A_205 : memref<1x1x112x384xf32, #tpu.memory_space<hbm>> -> memref<112x384xf32, #tpu.memory_space<hbm>>
      tpu.wait_dma2 semaphore(%arg7 : memref<!tpu.dma_semaphore, #tpu.memory_space<semaphore_mem>>) src(%dma_wait3A_206 : memref<112x384xf32, #tpu.memory_space<hbm>>) dst(%arg4 : memref<112x384xf32, #tpu.memory_space<vmem>>)
      %add3A_207 = arith.constant 2 : i32
      %add3A_208 = arith.addi %mul3A_197, %add3A_207 : i32
      %lt3A = arith.constant 14 : i32
      %lt3A_209 = arith.cmpi slt, %add3A_208, %lt3A : i32
      %convert_element_type3A = arith.extui %lt3A_209 : i1 to i32
      %cond3A = arith.constant 0 : i32
      %cond3A_210 = arith.cmpi ne, %convert_element_type3A, %cond3A : i32
      scf.if %cond3A_210 {
        %add3A_240 = arith.constant 2 : i32
        %add3A_241 = arith.addi %mul3A_197, %add3A_240 : i32
        %jit3A = arith.constant 2 : i32
        %div3A = arith.divsi %add3A_241, %jit3A : i32
        %sign3A = arith.constant 0 : i32
        %sign3A_242 = arith.cmpi sgt, %add3A_241, %sign3A : i32
        %sign3A_243 = arith.extui %sign3A_242 : i1 to i32
        %sign3A_244 = arith.constant 0 : i32
        %sign3A_245 = arith.cmpi slt, %add3A_241, %sign3A_244 : i32
        %sign3A_246 = arith.extui %sign3A_245 : i1 to i32
        %sign3A_247 = arith.subi %sign3A_243, %sign3A_246 : i32
        %sign3A_248 = arith.constant 0 : i32
        %sign3A_249 = arith.cmpi sgt, %jit3A, %sign3A_248 : i32
        %sign3A_250 = arith.extui %sign3A_249 : i1 to i32
        %sign3A_251 = arith.constant 0 : i32
        %sign3A_252 = arith.cmpi slt, %jit3A, %sign3A_251 : i32
        %sign3A_253 = arith.extui %sign3A_252 : i1 to i32
        %sign3A_254 = arith.subi %sign3A_250, %sign3A_253 : i32
        %ne3A = arith.cmpi ne, %sign3A_247, %sign3A_254 : i32
        %rem3A = arith.remsi %add3A_241, %jit3A : i32
        %ne3A_255 = arith.constant 0 : i32
        %ne3A_256 = arith.cmpi ne, %rem3A, %ne3A_255 : i32
        %and3A = arith.andi %ne3A, %ne3A_256 : i1
        %sub3A = arith.constant 1 : i32
        %sub3A_257 = arith.subi %div3A, %sub3A : i32
        %select_n3A = arith.select %and3A, %sub3A_257, %div3A : i32
        %add3A_258 = arith.addi %mul3A_2, %select_n3A : i32
        %jit3A_259 = arith.constant 2 : i32
        %eq3A = arith.constant 0 : i32
        %eq3A_260 = arith.cmpi eq, %jit3A_259, %eq3A : i32
        %jit3A_261 = arith.constant 1 : i32
        %select_n3A_262 = arith.select %eq3A_260, %jit3A_261, %jit3A_259 : i32
        %rem3A_263 = arith.remsi %add3A_241, %select_n3A_262 : i32
        %ne3A_264 = arith.constant 0 : i32
        %ne3A_265 = arith.cmpi ne, %rem3A_263, %ne3A_264 : i32
        %lt3A_266 = arith.constant 0 : i32
        %lt3A_267 = arith.cmpi slt, %rem3A_263, %lt3A_266 : i32
        %lt3A_268 = arith.constant 0 : i32
        %lt3A_269 = arith.cmpi slt, %select_n3A_262, %lt3A_268 : i32
        %ne3A_270 = arith.xori %lt3A_267, %lt3A_269 : i1
        %and3A_271 = arith.andi %ne3A_270, %ne3A_265 : i1
        %add3A_272 = arith.addi %rem3A_263, %select_n3A_262 : i32
        %select_n3A_273 = arith.select %and3A_271, %add3A_272, %rem3A_263 : i32
        %mul3A_274 = arith.constant 112 : i32
        %mul3A_275 = arith.muli %select_n3A_273, %mul3A_274 : i32
        %dma_start3A_276 = arith.constant 3 : i32
        %dma_start3A_277 = arith.constant 0 : i32
        %dma_start3A_278 = tpu.memref_slice %arg2[%dma_start3A_276, %add3A_258, %mul3A_275, %dma_start3A_277] : memref<4x224x224x384xf32, #tpu.memory_space<hbm>> -> memref<1x1x112x384xf32, #tpu.memory_space<hbm>>
        %dma_start3A_279 = tpu.memref_squeeze %dma_start3A_278 : memref<1x1x112x384xf32, #tpu.memory_space<hbm>> -> memref<112x384xf32, #tpu.memory_space<hbm>>
        %dma_start3A_280 = arith.constant 0 : i32
        %dma_start3A_281 = tpu.memref_slice %arg2[%dma_start3A_276, %add3A_258, %mul3A_275, %dma_start3A_280] : memref<4x224x224x384xf32, #tpu.memory_space<hbm>> -> memref<1x1x112x384xf32, #tpu.memory_space<hbm>>
        %dma_start3A_282 = tpu.memref_squeeze %dma_start3A_281 : memref<1x1x112x384xf32, #tpu.memory_space<hbm>> -> memref<112x384xf32, #tpu.memory_space<hbm>>
        tpu.enqueue_dma source(%dma_start3A_282 : memref<112x384xf32, #tpu.memory_space<hbm>>) target(%arg4 : memref<112x384xf32, #tpu.memory_space<vmem>>) target_semaphore(%arg7 : memref<!tpu.dma_semaphore, #tpu.memory_space<semaphore_mem>>)
      } else {
      }
      %scan3A_211 = arith.constant 0 : i32
      %scan3A_212 = arith.constant 112 : i32
      %scan3A_213 = arith.addi %scan3A_211, %scan3A_212 : i32
      %scan3A_214 = arith.constant 1 : i32
      %scan3A_215:24 = scf.for %scan3A_240 = %scan3A_211 to %scan3A_213 step %scan3A_214 iter_args(%scan3A_241 = %scan3A_172, %scan3A_242 = %scan3A_173, %scan3A_243 = %scan3A_174, %scan3A_244 = %scan3A_175, %scan3A_245 = %scan3A_176, %scan3A_246 = %scan3A_177, %scan3A_247 = %scan3A_178, %scan3A_248 = %scan3A_179, %scan3A_249 = %scan3A_180, %scan3A_250 = %scan3A_181, %scan3A_251 = %scan3A_182, %scan3A_252 = %scan3A_183, %scan3A_253 = %scan3A_184, %scan3A_254 = %scan3A_185, %scan3A_255 = %scan3A_186, %scan3A_256 = %scan3A_187, %scan3A_257 = %scan3A_188, %scan3A_258 = %scan3A_189, %scan3A_259 = %scan3A_190, %scan3A_260 = %scan3A_191, %scan3A_261 = %scan3A_192, %scan3A_262 = %scan3A_193, %scan3A_263 = %scan3A_194, %scan3A_264 = %scan3A_195) -> (vector<16xf32>, vector<16xf32>, vector<16xf32>, vector<16xf32>, vector<16xf32>, vector<16xf32>, vector<16xf32>, vector<16xf32>, vector<16xf32>, vector<16xf32>, vector<16xf32>, vector<16xf32>, vector<16xf32>, vector<16xf32>, vector<16xf32>, vector<16xf32>, vector<16xf32>, vector<16xf32>, vector<16xf32>, vector<16xf32>, vector<16xf32>, vector<16xf32>, vector<16xf32>, vector<16xf32>)  : i32 {
        %get3A = arith.index_cast %scan3A_240 : i32 to index
        %get3A_265 = arith.constant 0 : index
        %get3A_266 = tpu.vector_load %arg4[%get3A, %get3A_265] {strides = array<i32>} : memref<112x384xf32, #tpu.memory_space<vmem>>, vector<1x16xf32>,
        %get3A_267 = vector.shape_cast %get3A_266 : vector<1x16xf32> to vector<16xf32>
        %add3A_268 = arith.addf %scan3A_241, %get3A_267 : vector<16xf32>
        %get3A_269 = arith.index_cast %scan3A_240 : i32 to index
        %get3A_270 = arith.constant 16 : index
        %get3A_271 = tpu.vector_load %arg4[%get3A_269, %get3A_270] {strides = array<i32>} : memref<112x384xf32, #tpu.memory_space<vmem>>, vector<1x16xf32>,
        %get3A_272 = vector.shape_cast %get3A_271 : vector<1x16xf32> to vector<16xf32>
        %add3A_273 = arith.addf %scan3A_242, %get3A_272 : vector<16xf32>
        %get3A_274 = arith.index_cast %scan3A_240 : i32 to index
        %get3A_275 = arith.constant 32 : index
        %get3A_276 = tpu.vector_load %arg4[%get3A_274, %get3A_275] {strides = array<i32>} : memref<112x384xf32, #tpu.memory_space<vmem>>, vector<1x16xf32>,
        %get3A_277 = vector.shape_cast %get3A_276 : vector<1x16xf32> to vector<16xf32>
        %add3A_278 = arith.addf %scan3A_243, %get3A_277 : vector<16xf32>
        %get3A_279 = arith.index_cast %scan3A_240 : i32 to index
        %get3A_280 = arith.constant 48 : index
        %get3A_281 = tpu.vector_load %arg4[%get3A_279, %get3A_280] {strides = array<i32>} : memref<112x384xf32, #tpu.memory_space<vmem>>, vector<1x16xf32>,
        %get3A_282 = vector.shape_cast %get3A_281 : vector<1x16xf32> to vector<16xf32>
        %add3A_283 = arith.addf %scan3A_244, %get3A_282 : vector<16xf32>
        %get3A_284 = arith.index_cast %scan3A_240 : i32 to index
        %get3A_285 = arith.constant 64 : index
        %get3A_286 = tpu.vector_load %arg4[%get3A_284, %get3A_285] {strides = array<i32>} : memref<112x384xf32, #tpu.memory_space<vmem>>, vector<1x16xf32>,
        %get3A_287 = vector.shape_cast %get3A_286 : vector<1x16xf32> to vector<16xf32>
        %add3A_288 = arith.addf %scan3A_245, %get3A_287 : vector<16xf32>
        %get3A_289 = arith.index_cast %scan3A_240 : i32 to index
        %get3A_290 = arith.constant 80 : index
        %get3A_291 = tpu.vector_load %arg4[%get3A_289, %get3A_290] {strides = array<i32>} : memref<112x384xf32, #tpu.memory_space<vmem>>, vector<1x16xf32>,
        %get3A_292 = vector.shape_cast %get3A_291 : vector<1x16xf32> to vector<16xf32>
        %add3A_293 = arith.addf %scan3A_246, %get3A_292 : vector<16xf32>
        %get3A_294 = arith.index_cast %scan3A_240 : i32 to index
        %get3A_295 = arith.constant 96 : index
        %get3A_296 = tpu.vector_load %arg4[%get3A_294, %get3A_295] {strides = array<i32>} : memref<112x384xf32, #tpu.memory_space<vmem>>, vector<1x16xf32>,
        %get3A_297 = vector.shape_cast %get3A_296 : vector<1x16xf32> to vector<16xf32>
        %add3A_298 = arith.addf %scan3A_247, %get3A_297 : vector<16xf32>
        %get3A_299 = arith.index_cast %scan3A_240 : i32 to index
        %get3A_300 = arith.constant 112 : index
        %get3A_301 = tpu.vector_load %arg4[%get3A_299, %get3A_300] {strides = array<i32>} : memref<112x384xf32, #tpu.memory_space<vmem>>, vector<1x16xf32>,
        %get3A_302 = vector.shape_cast %get3A_301 : vector<1x16xf32> to vector<16xf32>
        %add3A_303 = arith.addf %scan3A_248, %get3A_302 : vector<16xf32>
        %get3A_304 = arith.index_cast %scan3A_240 : i32 to index
        %get3A_305 = arith.constant 128 : index
        %get3A_306 = tpu.vector_load %arg4[%get3A_304, %get3A_305] {strides = array<i32>} : memref<112x384xf32, #tpu.memory_space<vmem>>, vector<1x16xf32>,
        %get3A_307 = vector.shape_cast %get3A_306 : vector<1x16xf32> to vector<16xf32>
        %add3A_308 = arith.addf %scan3A_249, %get3A_307 : vector<16xf32>
        %get3A_309 = arith.index_cast %scan3A_240 : i32 to index
        %get3A_310 = arith.constant 144 : index
        %get3A_311 = tpu.vector_load %arg4[%get3A_309, %get3A_310] {strides = array<i32>} : memref<112x384xf32, #tpu.memory_space<vmem>>, vector<1x16xf32>,
        %get3A_312 = vector.shape_cast %get3A_311 : vector<1x16xf32> to vector<16xf32>
        %add3A_313 = arith.addf %scan3A_250, %get3A_312 : vector<16xf32>
        %get3A_314 = arith.index_cast %scan3A_240 : i32 to index
        %get3A_315 = arith.constant 160 : index
        %get3A_316 = tpu.vector_load %arg4[%get3A_314, %get3A_315] {strides = array<i32>} : memref<112x384xf32, #tpu.memory_space<vmem>>, vector<1x16xf32>,
        %get3A_317 = vector.shape_cast %get3A_316 : vector<1x16xf32> to vector<16xf32>
        %add3A_318 = arith.addf %scan3A_251, %get3A_317 : vector<16xf32>
        %get3A_319 = arith.index_cast %scan3A_240 : i32 to index
        %get3A_320 = arith.constant 176 : index
        %get3A_321 = tpu.vector_load %arg4[%get3A_319, %get3A_320] {strides = array<i32>} : memref<112x384xf32, #tpu.memory_space<vmem>>, vector<1x16xf32>,
        %get3A_322 = vector.shape_cast %get3A_321 : vector<1x16xf32> to vector<16xf32>
        %add3A_323 = arith.addf %scan3A_252, %get3A_322 : vector<16xf32>
        %get3A_324 = arith.index_cast %scan3A_240 : i32 to index
        %get3A_325 = arith.constant 192 : index
        %get3A_326 = tpu.vector_load %arg4[%get3A_324, %get3A_325] {strides = array<i32>} : memref<112x384xf32, #tpu.memory_space<vmem>>, vector<1x16xf32>,
        %get3A_327 = vector.shape_cast %get3A_326 : vector<1x16xf32> to vector<16xf32>
        %add3A_328 = arith.addf %scan3A_253, %get3A_327 : vector<16xf32>
        %get3A_329 = arith.index_cast %scan3A_240 : i32 to index
        %get3A_330 = arith.constant 208 : index
        %get3A_331 = tpu.vector_load %arg4[%get3A_329, %get3A_330] {strides = array<i32>} : memref<112x384xf32, #tpu.memory_space<vmem>>, vector<1x16xf32>,
        %get3A_332 = vector.shape_cast %get3A_331 : vector<1x16xf32> to vector<16xf32>
        %add3A_333 = arith.addf %scan3A_254, %get3A_332 : vector<16xf32>
        %get3A_334 = arith.index_cast %scan3A_240 : i32 to index
        %get3A_335 = arith.constant 224 : index
        %get3A_336 = tpu.vector_load %arg4[%get3A_334, %get3A_335] {strides = array<i32>} : memref<112x384xf32, #tpu.memory_space<vmem>>, vector<1x16xf32>,
        %get3A_337 = vector.shape_cast %get3A_336 : vector<1x16xf32> to vector<16xf32>
        %add3A_338 = arith.addf %scan3A_255, %get3A_337 : vector<16xf32>
        %get3A_339 = arith.index_cast %scan3A_240 : i32 to index
        %get3A_340 = arith.constant 240 : index
        %get3A_341 = tpu.vector_load %arg4[%get3A_339, %get3A_340] {strides = array<i32>} : memref<112x384xf32, #tpu.memory_space<vmem>>, vector<1x16xf32>,
        %get3A_342 = vector.shape_cast %get3A_341 : vector<1x16xf32> to vector<16xf32>
        %add3A_343 = arith.addf %scan3A_256, %get3A_342 : vector<16xf32>
        %get3A_344 = arith.index_cast %scan3A_240 : i32 to index
        %get3A_345 = arith.constant 256 : index
        %get3A_346 = tpu.vector_load %arg4[%get3A_344, %get3A_345] {strides = array<i32>} : memref<112x384xf32, #tpu.memory_space<vmem>>, vector<1x16xf32>,
        %get3A_347 = vector.shape_cast %get3A_346 : vector<1x16xf32> to vector<16xf32>
        %add3A_348 = arith.addf %scan3A_257, %get3A_347 : vector<16xf32>
        %get3A_349 = arith.index_cast %scan3A_240 : i32 to index
        %get3A_350 = arith.constant 272 : index
        %get3A_351 = tpu.vector_load %arg4[%get3A_349, %get3A_350] {strides = array<i32>} : memref<112x384xf32, #tpu.memory_space<vmem>>, vector<1x16xf32>,
        %get3A_352 = vector.shape_cast %get3A_351 : vector<1x16xf32> to vector<16xf32>
        %add3A_353 = arith.addf %scan3A_258, %get3A_352 : vector<16xf32>
        %get3A_354 = arith.index_cast %scan3A_240 : i32 to index
        %get3A_355 = arith.constant 288 : index
        %get3A_356 = tpu.vector_load %arg4[%get3A_354, %get3A_355] {strides = array<i32>} : memref<112x384xf32, #tpu.memory_space<vmem>>, vector<1x16xf32>,
        %get3A_357 = vector.shape_cast %get3A_356 : vector<1x16xf32> to vector<16xf32>
        %add3A_358 = arith.addf %scan3A_259, %get3A_357 : vector<16xf32>
        %get3A_359 = arith.index_cast %scan3A_240 : i32 to index
        %get3A_360 = arith.constant 304 : index
        %get3A_361 = tpu.vector_load %arg4[%get3A_359, %get3A_360] {strides = array<i32>} : memref<112x384xf32, #tpu.memory_space<vmem>>, vector<1x16xf32>,
        %get3A_362 = vector.shape_cast %get3A_361 : vector<1x16xf32> to vector<16xf32>
        %add3A_363 = arith.addf %scan3A_260, %get3A_362 : vector<16xf32>
        %get3A_364 = arith.index_cast %scan3A_240 : i32 to index
        %get3A_365 = arith.constant 320 : index
        %get3A_366 = tpu.vector_load %arg4[%get3A_364, %get3A_365] {strides = array<i32>} : memref<112x384xf32, #tpu.memory_space<vmem>>, vector<1x16xf32>,
        %get3A_367 = vector.shape_cast %get3A_366 : vector<1x16xf32> to vector<16xf32>
        %add3A_368 = arith.addf %scan3A_261, %get3A_367 : vector<16xf32>
        %get3A_369 = arith.index_cast %scan3A_240 : i32 to index
        %get3A_370 = arith.constant 336 : index
        %get3A_371 = tpu.vector_load %arg4[%get3A_369, %get3A_370] {strides = array<i32>} : memref<112x384xf32, #tpu.memory_space<vmem>>, vector<1x16xf32>,
        %get3A_372 = vector.shape_cast %get3A_371 : vector<1x16xf32> to vector<16xf32>
        %add3A_373 = arith.addf %scan3A_262, %get3A_372 : vector<16xf32>
        %get3A_374 = arith.index_cast %scan3A_240 : i32 to index
        %get3A_375 = arith.constant 352 : index
        %get3A_376 = tpu.vector_load %arg4[%get3A_374, %get3A_375] {strides = array<i32>} : memref<112x384xf32, #tpu.memory_space<vmem>>, vector<1x16xf32>,
        %get3A_377 = vector.shape_cast %get3A_376 : vector<1x16xf32> to vector<16xf32>
        %add3A_378 = arith.addf %scan3A_263, %get3A_377 : vector<16xf32>
        %get3A_379 = arith.index_cast %scan3A_240 : i32 to index
        %get3A_380 = arith.constant 368 : index
        %get3A_381 = tpu.vector_load %arg4[%get3A_379, %get3A_380] {strides = array<i32>} : memref<112x384xf32, #tpu.memory_space<vmem>>, vector<1x16xf32>,
        %get3A_382 = vector.shape_cast %get3A_381 : vector<1x16xf32> to vector<16xf32>
        %add3A_383 = arith.addf %scan3A_264, %get3A_382 : vector<16xf32>
        scf.yield %add3A_268, %add3A_273, %add3A_278, %add3A_283, %add3A_288, %add3A_293, %add3A_298, %add3A_303, %add3A_308, %add3A_313, %add3A_318, %add3A_323, %add3A_328, %add3A_333, %add3A_338, %add3A_343, %add3A_348, %add3A_353, %add3A_358, %add3A_363, %add3A_368, %add3A_373, %add3A_378, %add3A_383 : vector<16xf32>, vector<16xf32>, vector<16xf32>, vector<16xf32>, vector<16xf32>, vector<16xf32>, vector<16xf32>, vector<16xf32>, vector<16xf32>, vector<16xf32>, vector<16xf32>, vector<16xf32>, vector<16xf32>, vector<16xf32>, vector<16xf32>, vector<16xf32>, vector<16xf32>, vector<16xf32>, vector<16xf32>, vector<16xf32>, vector<16xf32>, vector<16xf32>, vector<16xf32>, vector<16xf32>
      }
      %scan3A_216 = arith.constant 112 : i32
      %dma_wait3A_217 = arith.constant 3 : i32
      %dma_wait3A_218 = arith.constant 0 : i32
      %dma_wait3A_219 = arith.constant 0 : i32
      %dma_wait3A_220 = arith.constant 0 : i32
      %dma_wait3A_221 = tpu.memref_slice %arg2[%dma_wait3A_217, %dma_wait3A_218, %dma_wait3A_219, %dma_wait3A_220] : memref<4x224x224x384xf32, #tpu.memory_space<hbm>> -> memref<1x1x112x384xf32, #tpu.memory_space<hbm>>
      %dma_wait3A_222 = tpu.memref_squeeze %dma_wait3A_221 : memref<1x1x112x384xf32, #tpu.memory_space<hbm>> -> memref<112x384xf32, #tpu.memory_space<hbm>>
      %dma_wait3A_223 = arith.constant 0 : i32
      %dma_wait3A_224 = arith.constant 0 : i32
      %dma_wait3A_225 = tpu.memref_slice %arg2[%dma_wait3A_217, %dma_wait3A_218, %dma_wait3A_223, %dma_wait3A_224] : memref<4x224x224x384xf32, #tpu.memory_space<hbm>> -> memref<1x1x112x384xf32, #tpu.memory_space<hbm>>
      %dma_wait3A_226 = tpu.memref_squeeze %dma_wait3A_225 : memref<1x1x112x384xf32, #tpu.memory_space<hbm>> -> memref<112x384xf32, #tpu.memory_space<hbm>>
      tpu.wait_dma2 semaphore(%arg8 : memref<!tpu.dma_semaphore, #tpu.memory_space<semaphore_mem>>) src(%dma_wait3A_226 : memref<112x384xf32, #tpu.memory_space<hbm>>) dst(%arg5 : memref<112x384xf32, #tpu.memory_space<vmem>>)
      %add3A_227 = arith.constant 3 : i32
      %add3A_228 = arith.addi %mul3A_197, %add3A_227 : i32
      %lt3A_229 = arith.constant 14 : i32
      %lt3A_230 = arith.cmpi slt, %add3A_228, %lt3A_229 : i32
      %convert_element_type3A_231 = arith.extui %lt3A_230 : i1 to i32
      %cond3A_232 = arith.constant 0 : i32
      %cond3A_233 = arith.cmpi ne, %convert_element_type3A_231, %cond3A_232 : i32
      scf.if %cond3A_233 {
        %add3A_240 = arith.constant 3 : i32
        %add3A_241 = arith.addi %mul3A_197, %add3A_240 : i32
        %jit3A = arith.constant 2 : i32
        %div3A = arith.divsi %add3A_241, %jit3A : i32
        %sign3A = arith.constant 0 : i32
        %sign3A_242 = arith.cmpi sgt, %add3A_241, %sign3A : i32
        %sign3A_243 = arith.extui %sign3A_242 : i1 to i32
        %sign3A_244 = arith.constant 0 : i32
        %sign3A_245 = arith.cmpi slt, %add3A_241, %sign3A_244 : i32
        %sign3A_246 = arith.extui %sign3A_245 : i1 to i32
        %sign3A_247 = arith.subi %sign3A_243, %sign3A_246 : i32
        %sign3A_248 = arith.constant 0 : i32
        %sign3A_249 = arith.cmpi sgt, %jit3A, %sign3A_248 : i32
        %sign3A_250 = arith.extui %sign3A_249 : i1 to i32
        %sign3A_251 = arith.constant 0 : i32
        %sign3A_252 = arith.cmpi slt, %jit3A, %sign3A_251 : i32
        %sign3A_253 = arith.extui %sign3A_252 : i1 to i32
        %sign3A_254 = arith.subi %sign3A_250, %sign3A_253 : i32
        %ne3A = arith.cmpi ne, %sign3A_247, %sign3A_254 : i32
        %rem3A = arith.remsi %add3A_241, %jit3A : i32
        %ne3A_255 = arith.constant 0 : i32
        %ne3A_256 = arith.cmpi ne, %rem3A, %ne3A_255 : i32
        %and3A = arith.andi %ne3A, %ne3A_256 : i1
        %sub3A = arith.constant 1 : i32
        %sub3A_257 = arith.subi %div3A, %sub3A : i32
        %select_n3A = arith.select %and3A, %sub3A_257, %div3A : i32
        %add3A_258 = arith.addi %mul3A_2, %select_n3A : i32
        %jit3A_259 = arith.constant 2 : i32
        %eq3A = arith.constant 0 : i32
        %eq3A_260 = arith.cmpi eq, %jit3A_259, %eq3A : i32
        %jit3A_261 = arith.constant 1 : i32
        %select_n3A_262 = arith.select %eq3A_260, %jit3A_261, %jit3A_259 : i32
        %rem3A_263 = arith.remsi %add3A_241, %select_n3A_262 : i32
        %ne3A_264 = arith.constant 0 : i32
        %ne3A_265 = arith.cmpi ne, %rem3A_263, %ne3A_264 : i32
        %lt3A_266 = arith.constant 0 : i32
        %lt3A_267 = arith.cmpi slt, %rem3A_263, %lt3A_266 : i32
        %lt3A_268 = arith.constant 0 : i32
        %lt3A_269 = arith.cmpi slt, %select_n3A_262, %lt3A_268 : i32
        %ne3A_270 = arith.xori %lt3A_267, %lt3A_269 : i1
        %and3A_271 = arith.andi %ne3A_270, %ne3A_265 : i1
        %add3A_272 = arith.addi %rem3A_263, %select_n3A_262 : i32
        %select_n3A_273 = arith.select %and3A_271, %add3A_272, %rem3A_263 : i32
        %mul3A_274 = arith.constant 112 : i32
        %mul3A_275 = arith.muli %select_n3A_273, %mul3A_274 : i32
        %dma_start3A_276 = arith.constant 3 : i32
        %dma_start3A_277 = arith.constant 0 : i32
        %dma_start3A_278 = tpu.memref_slice %arg2[%dma_start3A_276, %add3A_258, %mul3A_275, %dma_start3A_277] : memref<4x224x224x384xf32, #tpu.memory_space<hbm>> -> memref<1x1x112x384xf32, #tpu.memory_space<hbm>>
        %dma_start3A_279 = tpu.memref_squeeze %dma_start3A_278 : memref<1x1x112x384xf32, #tpu.memory_space<hbm>> -> memref<112x384xf32, #tpu.memory_space<hbm>>
        %dma_start3A_280 = arith.constant 0 : i32
        %dma_start3A_281 = tpu.memref_slice %arg2[%dma_start3A_276, %add3A_258, %mul3A_275, %dma_start3A_280] : memref<4x224x224x384xf32, #tpu.memory_space<hbm>> -> memref<1x1x112x384xf32, #tpu.memory_space<hbm>>
        %dma_start3A_282 = tpu.memref_squeeze %dma_start3A_281 : memref<1x1x112x384xf32, #tpu.memory_space<hbm>> -> memref<112x384xf32, #tpu.memory_space<hbm>>
        tpu.enqueue_dma source(%dma_start3A_282 : memref<112x384xf32, #tpu.memory_space<hbm>>) target(%arg5 : memref<112x384xf32, #tpu.memory_space<vmem>>) target_semaphore(%arg8 : memref<!tpu.dma_semaphore, #tpu.memory_space<semaphore_mem>>)
      } else {
      }
      %scan3A_234 = arith.constant 0 : i32
      %scan3A_235 = arith.constant 112 : i32
      %scan3A_236 = arith.addi %scan3A_234, %scan3A_235 : i32
      %scan3A_237 = arith.constant 1 : i32
      %scan3A_238:24 = scf.for %scan3A_240 = %scan3A_234 to %scan3A_236 step %scan3A_237 iter_args(%scan3A_241 = %scan3A_215#0, %scan3A_242 = %scan3A_215#1, %scan3A_243 = %scan3A_215#2, %scan3A_244 = %scan3A_215#3, %scan3A_245 = %scan3A_215#4, %scan3A_246 = %scan3A_215#5, %scan3A_247 = %scan3A_215#6, %scan3A_248 = %scan3A_215#7, %scan3A_249 = %scan3A_215#8, %scan3A_250 = %scan3A_215#9, %scan3A_251 = %scan3A_215#10, %scan3A_252 = %scan3A_215#11, %scan3A_253 = %scan3A_215#12, %scan3A_254 = %scan3A_215#13, %scan3A_255 = %scan3A_215#14, %scan3A_256 = %scan3A_215#15, %scan3A_257 = %scan3A_215#16, %scan3A_258 = %scan3A_215#17, %scan3A_259 = %scan3A_215#18, %scan3A_260 = %scan3A_215#19, %scan3A_261 = %scan3A_215#20, %scan3A_262 = %scan3A_215#21, %scan3A_263 = %scan3A_215#22, %scan3A_264 = %scan3A_215#23) -> (vector<16xf32>, vector<16xf32>, vector<16xf32>, vector<16xf32>, vector<16xf32>, vector<16xf32>, vector<16xf32>, vector<16xf32>, vector<16xf32>, vector<16xf32>, vector<16xf32>, vector<16xf32>, vector<16xf32>, vector<16xf32>, vector<16xf32>, vector<16xf32>, vector<16xf32>, vector<16xf32>, vector<16xf32>, vector<16xf32>, vector<16xf32>, vector<16xf32>, vector<16xf32>, vector<16xf32>)  : i32 {
        %get3A = arith.index_cast %scan3A_240 : i32 to index
        %get3A_265 = arith.constant 0 : index
        %get3A_266 = tpu.vector_load %arg5[%get3A, %get3A_265] {strides = array<i32>} : memref<112x384xf32, #tpu.memory_space<vmem>>, vector<1x16xf32>,
        %get3A_267 = vector.shape_cast %get3A_266 : vector<1x16xf32> to vector<16xf32>
        %add3A_268 = arith.addf %scan3A_241, %get3A_267 : vector<16xf32>
        %get3A_269 = arith.index_cast %scan3A_240 : i32 to index
        %get3A_270 = arith.constant 16 : index
        %get3A_271 = tpu.vector_load %arg5[%get3A_269, %get3A_270] {strides = array<i32>} : memref<112x384xf32, #tpu.memory_space<vmem>>, vector<1x16xf32>,
        %get3A_272 = vector.shape_cast %get3A_271 : vector<1x16xf32> to vector<16xf32>
        %add3A_273 = arith.addf %scan3A_242, %get3A_272 : vector<16xf32>
        %get3A_274 = arith.index_cast %scan3A_240 : i32 to index
        %get3A_275 = arith.constant 32 : index
        %get3A_276 = tpu.vector_load %arg5[%get3A_274, %get3A_275] {strides = array<i32>} : memref<112x384xf32, #tpu.memory_space<vmem>>, vector<1x16xf32>,
        %get3A_277 = vector.shape_cast %get3A_276 : vector<1x16xf32> to vector<16xf32>
        %add3A_278 = arith.addf %scan3A_243, %get3A_277 : vector<16xf32>
        %get3A_279 = arith.index_cast %scan3A_240 : i32 to index
        %get3A_280 = arith.constant 48 : index
        %get3A_281 = tpu.vector_load %arg5[%get3A_279, %get3A_280] {strides = array<i32>} : memref<112x384xf32, #tpu.memory_space<vmem>>, vector<1x16xf32>,
        %get3A_282 = vector.shape_cast %get3A_281 : vector<1x16xf32> to vector<16xf32>
        %add3A_283 = arith.addf %scan3A_244, %get3A_282 : vector<16xf32>
        %get3A_284 = arith.index_cast %scan3A_240 : i32 to index
        %get3A_285 = arith.constant 64 : index
        %get3A_286 = tpu.vector_load %arg5[%get3A_284, %get3A_285] {strides = array<i32>} : memref<112x384xf32, #tpu.memory_space<vmem>>, vector<1x16xf32>,
        %get3A_287 = vector.shape_cast %get3A_286 : vector<1x16xf32> to vector<16xf32>
        %add3A_288 = arith.addf %scan3A_245, %get3A_287 : vector<16xf32>
        %get3A_289 = arith.index_cast %scan3A_240 : i32 to index
        %get3A_290 = arith.constant 80 : index
        %get3A_291 = tpu.vector_load %arg5[%get3A_289, %get3A_290] {strides = array<i32>} : memref<112x384xf32, #tpu.memory_space<vmem>>, vector<1x16xf32>,
        %get3A_292 = vector.shape_cast %get3A_291 : vector<1x16xf32> to vector<16xf32>
        %add3A_293 = arith.addf %scan3A_246, %get3A_292 : vector<16xf32>
        %get3A_294 = arith.index_cast %scan3A_240 : i32 to index
        %get3A_295 = arith.constant 96 : index
        %get3A_296 = tpu.vector_load %arg5[%get3A_294, %get3A_295] {strides = array<i32>} : memref<112x384xf32, #tpu.memory_space<vmem>>, vector<1x16xf32>,
        %get3A_297 = vector.shape_cast %get3A_296 : vector<1x16xf32> to vector<16xf32>
        %add3A_298 = arith.addf %scan3A_247, %get3A_297 : vector<16xf32>
        %get3A_299 = arith.index_cast %scan3A_240 : i32 to index
        %get3A_300 = arith.constant 112 : index
        %get3A_301 = tpu.vector_load %arg5[%get3A_299, %get3A_300] {strides = array<i32>} : memref<112x384xf32, #tpu.memory_space<vmem>>, vector<1x16xf32>,
        %get3A_302 = vector.shape_cast %get3A_301 : vector<1x16xf32> to vector<16xf32>
        %add3A_303 = arith.addf %scan3A_248, %get3A_302 : vector<16xf32>
        %get3A_304 = arith.index_cast %scan3A_240 : i32 to index
        %get3A_305 = arith.constant 128 : index
        %get3A_306 = tpu.vector_load %arg5[%get3A_304, %get3A_305] {strides = array<i32>} : memref<112x384xf32, #tpu.memory_space<vmem>>, vector<1x16xf32>,
        %get3A_307 = vector.shape_cast %get3A_306 : vector<1x16xf32> to vector<16xf32>
        %add3A_308 = arith.addf %scan3A_249, %get3A_307 : vector<16xf32>
        %get3A_309 = arith.index_cast %scan3A_240 : i32 to index
        %get3A_310 = arith.constant 144 : index
        %get3A_311 = tpu.vector_load %arg5[%get3A_309, %get3A_310] {strides = array<i32>} : memref<112x384xf32, #tpu.memory_space<vmem>>, vector<1x16xf32>,
        %get3A_312 = vector.shape_cast %get3A_311 : vector<1x16xf32> to vector<16xf32>
        %add3A_313 = arith.addf %scan3A_250, %get3A_312 : vector<16xf32>
        %get3A_314 = arith.index_cast %scan3A_240 : i32 to index
        %get3A_315 = arith.constant 160 : index
        %get3A_316 = tpu.vector_load %arg5[%get3A_314, %get3A_315] {strides = array<i32>} : memref<112x384xf32, #tpu.memory_space<vmem>>, vector<1x16xf32>,
        %get3A_317 = vector.shape_cast %get3A_316 : vector<1x16xf32> to vector<16xf32>
        %add3A_318 = arith.addf %scan3A_251, %get3A_317 : vector<16xf32>
        %get3A_319 = arith.index_cast %scan3A_240 : i32 to index
        %get3A_320 = arith.constant 176 : index
        %get3A_321 = tpu.vector_load %arg5[%get3A_319, %get3A_320] {strides = array<i32>} : memref<112x384xf32, #tpu.memory_space<vmem>>, vector<1x16xf32>,
        %get3A_322 = vector.shape_cast %get3A_321 : vector<1x16xf32> to vector<16xf32>
        %add3A_323 = arith.addf %scan3A_252, %get3A_322 : vector<16xf32>
        %get3A_324 = arith.index_cast %scan3A_240 : i32 to index
        %get3A_325 = arith.constant 192 : index
        %get3A_326 = tpu.vector_load %arg5[%get3A_324, %get3A_325] {strides = array<i32>} : memref<112x384xf32, #tpu.memory_space<vmem>>, vector<1x16xf32>,
        %get3A_327 = vector.shape_cast %get3A_326 : vector<1x16xf32> to vector<16xf32>
        %add3A_328 = arith.addf %scan3A_253, %get3A_327 : vector<16xf32>
        %get3A_329 = arith.index_cast %scan3A_240 : i32 to index
        %get3A_330 = arith.constant 208 : index
        %get3A_331 = tpu.vector_load %arg5[%get3A_329, %get3A_330] {strides = array<i32>} : memref<112x384xf32, #tpu.memory_space<vmem>>, vector<1x16xf32>,
        %get3A_332 = vector.shape_cast %get3A_331 : vector<1x16xf32> to vector<16xf32>
        %add3A_333 = arith.addf %scan3A_254, %get3A_332 : vector<16xf32>
        %get3A_334 = arith.index_cast %scan3A_240 : i32 to index
        %get3A_335 = arith.constant 224 : index
        %get3A_336 = tpu.vector_load %arg5[%get3A_334, %get3A_335] {strides = array<i32>} : memref<112x384xf32, #tpu.memory_space<vmem>>, vector<1x16xf32>,
        %get3A_337 = vector.shape_cast %get3A_336 : vector<1x16xf32> to vector<16xf32>
        %add3A_338 = arith.addf %scan3A_255, %get3A_337 : vector<16xf32>
        %get3A_339 = arith.index_cast %scan3A_240 : i32 to index
        %get3A_340 = arith.constant 240 : index
        %get3A_341 = tpu.vector_load %arg5[%get3A_339, %get3A_340] {strides = array<i32>} : memref<112x384xf32, #tpu.memory_space<vmem>>, vector<1x16xf32>,
        %get3A_342 = vector.shape_cast %get3A_341 : vector<1x16xf32> to vector<16xf32>
        %add3A_343 = arith.addf %scan3A_256, %get3A_342 : vector<16xf32>
        %get3A_344 = arith.index_cast %scan3A_240 : i32 to index
        %get3A_345 = arith.constant 256 : index
        %get3A_346 = tpu.vector_load %arg5[%get3A_344, %get3A_345] {strides = array<i32>} : memref<112x384xf32, #tpu.memory_space<vmem>>, vector<1x16xf32>,
        %get3A_347 = vector.shape_cast %get3A_346 : vector<1x16xf32> to vector<16xf32>
        %add3A_348 = arith.addf %scan3A_257, %get3A_347 : vector<16xf32>
        %get3A_349 = arith.index_cast %scan3A_240 : i32 to index
        %get3A_350 = arith.constant 272 : index
        %get3A_351 = tpu.vector_load %arg5[%get3A_349, %get3A_350] {strides = array<i32>} : memref<112x384xf32, #tpu.memory_space<vmem>>, vector<1x16xf32>,
        %get3A_352 = vector.shape_cast %get3A_351 : vector<1x16xf32> to vector<16xf32>
        %add3A_353 = arith.addf %scan3A_258, %get3A_352 : vector<16xf32>
        %get3A_354 = arith.index_cast %scan3A_240 : i32 to index
        %get3A_355 = arith.constant 288 : index
        %get3A_356 = tpu.vector_load %arg5[%get3A_354, %get3A_355] {strides = array<i32>} : memref<112x384xf32, #tpu.memory_space<vmem>>, vector<1x16xf32>,
        %get3A_357 = vector.shape_cast %get3A_356 : vector<1x16xf32> to vector<16xf32>
        %add3A_358 = arith.addf %scan3A_259, %get3A_357 : vector<16xf32>
        %get3A_359 = arith.index_cast %scan3A_240 : i32 to index
        %get3A_360 = arith.constant 304 : index
        %get3A_361 = tpu.vector_load %arg5[%get3A_359, %get3A_360] {strides = array<i32>} : memref<112x384xf32, #tpu.memory_space<vmem>>, vector<1x16xf32>,
        %get3A_362 = vector.shape_cast %get3A_361 : vector<1x16xf32> to vector<16xf32>
        %add3A_363 = arith.addf %scan3A_260, %get3A_362 : vector<16xf32>
        %get3A_364 = arith.index_cast %scan3A_240 : i32 to index
        %get3A_365 = arith.constant 320 : index
        %get3A_366 = tpu.vector_load %arg5[%get3A_364, %get3A_365] {strides = array<i32>} : memref<112x384xf32, #tpu.memory_space<vmem>>, vector<1x16xf32>,
        %get3A_367 = vector.shape_cast %get3A_366 : vector<1x16xf32> to vector<16xf32>
        %add3A_368 = arith.addf %scan3A_261, %get3A_367 : vector<16xf32>
        %get3A_369 = arith.index_cast %scan3A_240 : i32 to index
        %get3A_370 = arith.constant 336 : index
        %get3A_371 = tpu.vector_load %arg5[%get3A_369, %get3A_370] {strides = array<i32>} : memref<112x384xf32, #tpu.memory_space<vmem>>, vector<1x16xf32>,
        %get3A_372 = vector.shape_cast %get3A_371 : vector<1x16xf32> to vector<16xf32>
        %add3A_373 = arith.addf %scan3A_262, %get3A_372 : vector<16xf32>
        %get3A_374 = arith.index_cast %scan3A_240 : i32 to index
        %get3A_375 = arith.constant 352 : index
        %get3A_376 = tpu.vector_load %arg5[%get3A_374, %get3A_375] {strides = array<i32>} : memref<112x384xf32, #tpu.memory_space<vmem>>, vector<1x16xf32>,
        %get3A_377 = vector.shape_cast %get3A_376 : vector<1x16xf32> to vector<16xf32>
        %add3A_378 = arith.addf %scan3A_263, %get3A_377 : vector<16xf32>
        %get3A_379 = arith.index_cast %scan3A_240 : i32 to index
        %get3A_380 = arith.constant 368 : index
        %get3A_381 = tpu.vector_load %arg5[%get3A_379, %get3A_380] {strides = array<i32>} : memref<112x384xf32, #tpu.memory_space<vmem>>, vector<1x16xf32>,
        %get3A_382 = vector.shape_cast %get3A_381 : vector<1x16xf32> to vector<16xf32>
        %add3A_383 = arith.addf %scan3A_264, %get3A_382 : vector<16xf32>
        scf.yield %add3A_268, %add3A_273, %add3A_278, %add3A_283, %add3A_288, %add3A_293, %add3A_298, %add3A_303, %add3A_308, %add3A_313, %add3A_318, %add3A_323, %add3A_328, %add3A_333, %add3A_338, %add3A_343, %add3A_348, %add3A_353, %add3A_358, %add3A_363, %add3A_368, %add3A_373, %add3A_378, %add3A_383 : vector<16xf32>, vector<16xf32>, vector<16xf32>, vector<16xf32>, vector<16xf32>, vector<16xf32>, vector<16xf32>, vector<16xf32>, vector<16xf32>, vector<16xf32>, vector<16xf32>, vector<16xf32>, vector<16xf32>, vector<16xf32>, vector<16xf32>, vector<16xf32>, vector<16xf32>, vector<16xf32>, vector<16xf32>, vector<16xf32>, vector<16xf32>, vector<16xf32>, vector<16xf32>, vector<16xf32>
      }
      %scan3A_239 = arith.constant 112 : i32
      scf.yield %scan3A_238#0, %scan3A_238#1, %scan3A_238#2, %scan3A_238#3, %scan3A_238#4, %scan3A_238#5, %scan3A_238#6, %scan3A_238#7, %scan3A_238#8, %scan3A_238#9, %scan3A_238#10, %scan3A_238#11, %scan3A_238#12, %scan3A_238#13, %scan3A_238#14, %scan3A_238#15, %scan3A_238#16, %scan3A_238#17, %scan3A_238#18, %scan3A_238#19, %scan3A_238#20, %scan3A_238#21, %scan3A_238#22, %scan3A_238#23 : vector<16xf32>, vector<16xf32>, vector<16xf32>, vector<16xf32>, vector<16xf32>, vector<16xf32>, vector<16xf32>, vector<16xf32>, vector<16xf32>, vector<16xf32>, vector<16xf32>, vector<16xf32>, vector<16xf32>, vector<16xf32>, vector<16xf32>, vector<16xf32>, vector<16xf32>, vector<16xf32>, vector<16xf32>, vector<16xf32>, vector<16xf32>, vector<16xf32>, vector<16xf32>, vector<16xf32>
    }
    %scan3A_75 = arith.constant 7 : i32
    %swap3A = arith.constant 0 : index
    %swap3A_76 = tpu.vector_load %arg6[%swap3A] {strides = array<i32>} : memref<384xf32, #tpu.memory_space<vmem>>, vector<16xf32>,
    %swap3A_77 = vector.shape_cast %swap3A_76 : vector<16xf32> to vector<16xf32>
    %swap3A_78 = vector.shape_cast %scan3A_74#0 : vector<16xf32> to vector<16xf32>
    tpu.vector_store %arg6[%swap3A], %swap3A_78 {strides = array<i32>} : memref<384xf32, #tpu.memory_space<vmem>>, vector<16xf32>,
    %swap3A_79 = arith.constant 16 : index
    %swap3A_80 = tpu.vector_load %arg6[%swap3A_79] {strides = array<i32>} : memref<384xf32, #tpu.memory_space<vmem>>, vector<16xf32>,
    %swap3A_81 = vector.shape_cast %swap3A_80 : vector<16xf32> to vector<16xf32>
    %swap3A_82 = vector.shape_cast %scan3A_74#1 : vector<16xf32> to vector<16xf32>
    tpu.vector_store %arg6[%swap3A_79], %swap3A_82 {strides = array<i32>} : memref<384xf32, #tpu.memory_space<vmem>>, vector<16xf32>,
    %swap3A_83 = arith.constant 32 : index
    %swap3A_84 = tpu.vector_load %arg6[%swap3A_83] {strides = array<i32>} : memref<384xf32, #tpu.memory_space<vmem>>, vector<16xf32>,
    %swap3A_85 = vector.shape_cast %swap3A_84 : vector<16xf32> to vector<16xf32>
    %swap3A_86 = vector.shape_cast %scan3A_74#2 : vector<16xf32> to vector<16xf32>
    tpu.vector_store %arg6[%swap3A_83], %swap3A_86 {strides = array<i32>} : memref<384xf32, #tpu.memory_space<vmem>>, vector<16xf32>,
    %swap3A_87 = arith.constant 48 : index
    %swap3A_88 = tpu.vector_load %arg6[%swap3A_87] {strides = array<i32>} : memref<384xf32, #tpu.memory_space<vmem>>, vector<16xf32>,
    %swap3A_89 = vector.shape_cast %swap3A_88 : vector<16xf32> to vector<16xf32>
    %swap3A_90 = vector.shape_cast %scan3A_74#3 : vector<16xf32> to vector<16xf32>
    tpu.vector_store %arg6[%swap3A_87], %swap3A_90 {strides = array<i32>} : memref<384xf32, #tpu.memory_space<vmem>>, vector<16xf32>,
    %swap3A_91 = arith.constant 64 : index
    %swap3A_92 = tpu.vector_load %arg6[%swap3A_91] {strides = array<i32>} : memref<384xf32, #tpu.memory_space<vmem>>, vector<16xf32>,
    %swap3A_93 = vector.shape_cast %swap3A_92 : vector<16xf32> to vector<16xf32>
    %swap3A_94 = vector.shape_cast %scan3A_74#4 : vector<16xf32> to vector<16xf32>
    tpu.vector_store %arg6[%swap3A_91], %swap3A_94 {strides = array<i32>} : memref<384xf32, #tpu.memory_space<vmem>>, vector<16xf32>,
    %swap3A_95 = arith.constant 80 : index
    %swap3A_96 = tpu.vector_load %arg6[%swap3A_95] {strides = array<i32>} : memref<384xf32, #tpu.memory_space<vmem>>, vector<16xf32>,
    %swap3A_97 = vector.shape_cast %swap3A_96 : vector<16xf32> to vector<16xf32>
    %swap3A_98 = vector.shape_cast %scan3A_74#5 : vector<16xf32> to vector<16xf32>
    tpu.vector_store %arg6[%swap3A_95], %swap3A_98 {strides = array<i32>} : memref<384xf32, #tpu.memory_space<vmem>>, vector<16xf32>,
    %swap3A_99 = arith.constant 96 : index
    %swap3A_100 = tpu.vector_load %arg6[%swap3A_99] {strides = array<i32>} : memref<384xf32, #tpu.memory_space<vmem>>, vector<16xf32>,
    %swap3A_101 = vector.shape_cast %swap3A_100 : vector<16xf32> to vector<16xf32>
    %swap3A_102 = vector.shape_cast %scan3A_74#6 : vector<16xf32> to vector<16xf32>
    tpu.vector_store %arg6[%swap3A_99], %swap3A_102 {strides = array<i32>} : memref<384xf32, #tpu.memory_space<vmem>>, vector<16xf32>,
    %swap3A_103 = arith.constant 112 : index
    %swap3A_104 = tpu.vector_load %arg6[%swap3A_103] {strides = array<i32>} : memref<384xf32, #tpu.memory_space<vmem>>, vector<16xf32>,
    %swap3A_105 = vector.shape_cast %swap3A_104 : vector<16xf32> to vector<16xf32>
    %swap3A_106 = vector.shape_cast %scan3A_74#7 : vector<16xf32> to vector<16xf32>
    tpu.vector_store %arg6[%swap3A_103], %swap3A_106 {strides = array<i32>} : memref<384xf32, #tpu.memory_space<vmem>>, vector<16xf32>,
    %swap3A_107 = arith.constant 128 : index
    %swap3A_108 = tpu.vector_load %arg6[%swap3A_107] {strides = array<i32>} : memref<384xf32, #tpu.memory_space<vmem>>, vector<16xf32>,
    %swap3A_109 = vector.shape_cast %swap3A_108 : vector<16xf32> to vector<16xf32>
    %swap3A_110 = vector.shape_cast %scan3A_74#8 : vector<16xf32> to vector<16xf32>
    tpu.vector_store %arg6[%swap3A_107], %swap3A_110 {strides = array<i32>} : memref<384xf32, #tpu.memory_space<vmem>>, vector<16xf32>,
    %swap3A_111 = arith.constant 144 : index
    %swap3A_112 = tpu.vector_load %arg6[%swap3A_111] {strides = array<i32>} : memref<384xf32, #tpu.memory_space<vmem>>, vector<16xf32>,
    %swap3A_113 = vector.shape_cast %swap3A_112 : vector<16xf32> to vector<16xf32>
    %swap3A_114 = vector.shape_cast %scan3A_74#9 : vector<16xf32> to vector<16xf32>
    tpu.vector_store %arg6[%swap3A_111], %swap3A_114 {strides = array<i32>} : memref<384xf32, #tpu.memory_space<vmem>>, vector<16xf32>,
    %swap3A_115 = arith.constant 160 : index
    %swap3A_116 = tpu.vector_load %arg6[%swap3A_115] {strides = array<i32>} : memref<384xf32, #tpu.memory_space<vmem>>, vector<16xf32>,
    %swap3A_117 = vector.shape_cast %swap3A_116 : vector<16xf32> to vector<16xf32>
    %swap3A_118 = vector.shape_cast %scan3A_74#10 : vector<16xf32> to vector<16xf32>
    tpu.vector_store %arg6[%swap3A_115], %swap3A_118 {strides = array<i32>} : memref<384xf32, #tpu.memory_space<vmem>>, vector<16xf32>,
    %swap3A_119 = arith.constant 176 : index
    %swap3A_120 = tpu.vector_load %arg6[%swap3A_119] {strides = array<i32>} : memref<384xf32, #tpu.memory_space<vmem>>, vector<16xf32>,
    %swap3A_121 = vector.shape_cast %swap3A_120 : vector<16xf32> to vector<16xf32>
    %swap3A_122 = vector.shape_cast %scan3A_74#11 : vector<16xf32> to vector<16xf32>
    tpu.vector_store %arg6[%swap3A_119], %swap3A_122 {strides = array<i32>} : memref<384xf32, #tpu.memory_space<vmem>>, vector<16xf32>,
    %swap3A_123 = arith.constant 192 : index
    %swap3A_124 = tpu.vector_load %arg6[%swap3A_123] {strides = array<i32>} : memref<384xf32, #tpu.memory_space<vmem>>, vector<16xf32>,
    %swap3A_125 = vector.shape_cast %swap3A_124 : vector<16xf32> to vector<16xf32>
    %swap3A_126 = vector.shape_cast %scan3A_74#12 : vector<16xf32> to vector<16xf32>
    tpu.vector_store %arg6[%swap3A_123], %swap3A_126 {strides = array<i32>} : memref<384xf32, #tpu.memory_space<vmem>>, vector<16xf32>,
    %swap3A_127 = arith.constant 208 : index
    %swap3A_128 = tpu.vector_load %arg6[%swap3A_127] {strides = array<i32>} : memref<384xf32, #tpu.memory_space<vmem>>, vector<16xf32>,
    %swap3A_129 = vector.shape_cast %swap3A_128 : vector<16xf32> to vector<16xf32>
    %swap3A_130 = vector.shape_cast %scan3A_74#13 : vector<16xf32> to vector<16xf32>
    tpu.vector_store %arg6[%swap3A_127], %swap3A_130 {strides = array<i32>} : memref<384xf32, #tpu.memory_space<vmem>>, vector<16xf32>,
    %swap3A_131 = arith.constant 224 : index
    %swap3A_132 = tpu.vector_load %arg6[%swap3A_131] {strides = array<i32>} : memref<384xf32, #tpu.memory_space<vmem>>, vector<16xf32>,
    %swap3A_133 = vector.shape_cast %swap3A_132 : vector<16xf32> to vector<16xf32>
    %swap3A_134 = vector.shape_cast %scan3A_74#14 : vector<16xf32> to vector<16xf32>
    tpu.vector_store %arg6[%swap3A_131], %swap3A_134 {strides = array<i32>} : memref<384xf32, #tpu.memory_space<vmem>>, vector<16xf32>,
    %swap3A_135 = arith.constant 240 : index
    %swap3A_136 = tpu.vector_load %arg6[%swap3A_135] {strides = array<i32>} : memref<384xf32, #tpu.memory_space<vmem>>, vector<16xf32>,
    %swap3A_137 = vector.shape_cast %swap3A_136 : vector<16xf32> to vector<16xf32>
    %swap3A_138 = vector.shape_cast %scan3A_74#15 : vector<16xf32> to vector<16xf32>
    tpu.vector_store %arg6[%swap3A_135], %swap3A_138 {strides = array<i32>} : memref<384xf32, #tpu.memory_space<vmem>>, vector<16xf32>,
    %swap3A_139 = arith.constant 256 : index
    %swap3A_140 = tpu.vector_load %arg6[%swap3A_139] {strides = array<i32>} : memref<384xf32, #tpu.memory_space<vmem>>, vector<16xf32>,
    %swap3A_141 = vector.shape_cast %swap3A_140 : vector<16xf32> to vector<16xf32>
    %swap3A_142 = vector.shape_cast %scan3A_74#16 : vector<16xf32> to vector<16xf32>
    tpu.vector_store %arg6[%swap3A_139], %swap3A_142 {strides = array<i32>} : memref<384xf32, #tpu.memory_space<vmem>>, vector<16xf32>,
    %swap3A_143 = arith.constant 272 : index
    %swap3A_144 = tpu.vector_load %arg6[%swap3A_143] {strides = array<i32>} : memref<384xf32, #tpu.memory_space<vmem>>, vector<16xf32>,
    %swap3A_145 = vector.shape_cast %swap3A_144 : vector<16xf32> to vector<16xf32>
    %swap3A_146 = vector.shape_cast %scan3A_74#17 : vector<16xf32> to vector<16xf32>
    tpu.vector_store %arg6[%swap3A_143], %swap3A_146 {strides = array<i32>} : memref<384xf32, #tpu.memory_space<vmem>>, vector<16xf32>,
    %swap3A_147 = arith.constant 288 : index
    %swap3A_148 = tpu.vector_load %arg6[%swap3A_147] {strides = array<i32>} : memref<384xf32, #tpu.memory_space<vmem>>, vector<16xf32>,
    %swap3A_149 = vector.shape_cast %swap3A_148 : vector<16xf32> to vector<16xf32>
    %swap3A_150 = vector.shape_cast %scan3A_74#18 : vector<16xf32> to vector<16xf32>
    tpu.vector_store %arg6[%swap3A_147], %swap3A_150 {strides = array<i32>} : memref<384xf32, #tpu.memory_space<vmem>>, vector<16xf32>,
    %swap3A_151 = arith.constant 304 : index
    %swap3A_152 = tpu.vector_load %arg6[%swap3A_151] {strides = array<i32>} : memref<384xf32, #tpu.memory_space<vmem>>, vector<16xf32>,
    %swap3A_153 = vector.shape_cast %swap3A_152 : vector<16xf32> to vector<16xf32>
    %swap3A_154 = vector.shape_cast %scan3A_74#19 : vector<16xf32> to vector<16xf32>
    tpu.vector_store %arg6[%swap3A_151], %swap3A_154 {strides = array<i32>} : memref<384xf32, #tpu.memory_space<vmem>>, vector<16xf32>,
    %swap3A_155 = arith.constant 320 : index
    %swap3A_156 = tpu.vector_load %arg6[%swap3A_155] {strides = array<i32>} : memref<384xf32, #tpu.memory_space<vmem>>, vector<16xf32>,
    %swap3A_157 = vector.shape_cast %swap3A_156 : vector<16xf32> to vector<16xf32>
    %swap3A_158 = vector.shape_cast %scan3A_74#20 : vector<16xf32> to vector<16xf32>
    tpu.vector_store %arg6[%swap3A_155], %swap3A_158 {strides = array<i32>} : memref<384xf32, #tpu.memory_space<vmem>>, vector<16xf32>,
    %swap3A_159 = arith.constant 336 : index
    %swap3A_160 = tpu.vector_load %arg6[%swap3A_159] {strides = array<i32>} : memref<384xf32, #tpu.memory_space<vmem>>, vector<16xf32>,
    %swap3A_161 = vector.shape_cast %swap3A_160 : vector<16xf32> to vector<16xf32>
    %swap3A_162 = vector.shape_cast %scan3A_74#21 : vector<16xf32> to vector<16xf32>
    tpu.vector_store %arg6[%swap3A_159], %swap3A_162 {strides = array<i32>} : memref<384xf32, #tpu.memory_space<vmem>>, vector<16xf32>,
    %swap3A_163 = arith.constant 352 : index
    %swap3A_164 = tpu.vector_load %arg6[%swap3A_163] {strides = array<i32>} : memref<384xf32, #tpu.memory_space<vmem>>, vector<16xf32>,
    %swap3A_165 = vector.shape_cast %swap3A_164 : vector<16xf32> to vector<16xf32>
    %swap3A_166 = vector.shape_cast %scan3A_74#22 : vector<16xf32> to vector<16xf32>
    tpu.vector_store %arg6[%swap3A_163], %swap3A_166 {strides = array<i32>} : memref<384xf32, #tpu.memory_space<vmem>>, vector<16xf32>,
    %swap3A_167 = arith.constant 368 : index
    %swap3A_168 = tpu.vector_load %arg6[%swap3A_167] {strides = array<i32>} : memref<384xf32, #tpu.memory_space<vmem>>, vector<16xf32>,
    %swap3A_169 = vector.shape_cast %swap3A_168 : vector<16xf32> to vector<16xf32>
    %swap3A_170 = vector.shape_cast %scan3A_74#23 : vector<16xf32> to vector<16xf32>
    tpu.vector_store %arg6[%swap3A_167], %swap3A_170 {strides = array<i32>} : memref<384xf32, #tpu.memory_space<vmem>>, vector<16xf32>,
    "tpu.region"() ({
      %run_scoped3A = tpu.sem_alloc : memref<!tpu.dma_semaphore, #tpu.memory_space<semaphore_mem>>
      %dma_start3A_171 = arith.constant 0 : i32
      %dma_start3A_172 = tpu.memref_slice %arg3[%add3A, %dma_start3A_171] : memref<32x384xf32, #tpu.memory_space<hbm>> -> memref<1x384xf32, #tpu.memory_space<hbm>>
      %dma_start3A_173 = tpu.memref_squeeze %dma_start3A_172 : memref<1x384xf32, #tpu.memory_space<hbm>> -> memref<384xf32, #tpu.memory_space<hbm>>
      %dma_start3A_174 = arith.constant 0 : i32
      %dma_start3A_175 = tpu.memref_slice %arg3[%add3A, %dma_start3A_174] : memref<32x384xf32, #tpu.memory_space<hbm>> -> memref<1x384xf32, #tpu.memory_space<hbm>>
      %dma_start3A_176 = tpu.memref_squeeze %dma_start3A_175 : memref<1x384xf32, #tpu.memory_space<hbm>> -> memref<384xf32, #tpu.memory_space<hbm>>
      tpu.enqueue_dma source(%arg6 : memref<384xf32, #tpu.memory_space<vmem>>) target(%dma_start3A_176 : memref<384xf32, #tpu.memory_space<hbm>>) target_semaphore(%run_scoped3A : memref<!tpu.dma_semaphore, #tpu.memory_space<semaphore_mem>>)
      %dma_wait3A = arith.constant 0 : i32
      %dma_wait3A_177 = tpu.memref_slice %arg3[%add3A, %dma_wait3A] : memref<32x384xf32, #tpu.memory_space<hbm>> -> memref<1x384xf32, #tpu.memory_space<hbm>>
      %dma_wait3A_178 = tpu.memref_squeeze %dma_wait3A_177 : memref<1x384xf32, #tpu.memory_space<hbm>> -> memref<384xf32, #tpu.memory_space<hbm>>
      %dma_wait3A_179 = arith.constant 0 : i32
      %dma_wait3A_180 = tpu.memref_slice %arg3[%add3A, %dma_wait3A_179] : memref<32x384xf32, #tpu.memory_space<hbm>> -> memref<1x384xf32, #tpu.memory_space<hbm>>
      %dma_wait3A_181 = tpu.memref_squeeze %dma_wait3A_180 : memref<1x384xf32, #tpu.memory_space<hbm>> -> memref<384xf32, #tpu.memory_space<hbm>>
      tpu.wait_dma2 semaphore(%run_scoped3A : memref<!tpu.dma_semaphore, #tpu.memory_space<semaphore_mem>>) src(%arg6 : memref<384xf32, #tpu.memory_space<vmem>>) dst(%dma_wait3A_181 : memref<384xf32, #tpu.memory_space<hbm>>)
      tpu.yield
    }) : () -> ()
    return
  }
}

module attributes {stable_mosaic.version = 14 : i64} {
  func.func @_pool_tc_body(%arg0: memref<4x224x224x384xf32, #tpu.memory_space<any>>, %arg1: memref<3x384xf32, #tpu.memory_space<vmem>>, %arg2: memref<14x224x384xf32, #tpu.memory_space<vmem>>, %arg3: memref<14x224x384xf32, #tpu.memory_space<vmem>>, %arg4: memref<14x224x384xf32, #tpu.memory_space<vmem>>, %arg5: memref<14x224x384xf32, #tpu.memory_space<vmem>>, %arg6: memref<4x!tpu.dma_semaphore, #tpu.memory_space<semaphore_mem>>) attributes {dimension_semantics = [], scalar_prefetch = 0 : i64, scratch_operands = 5 : i64, tpu.core_type = #tpu.core_type<tc>} {
    %dma_start3A = arith.constant 0 : i32
    %dma_start3A_0 = arith.constant 0 : i32
    %dma_start3A_1 = tpu.memref_slice %arg6[%dma_start3A_0] : memref<4x!tpu.dma_semaphore, #tpu.memory_space<semaphore_mem>> -> memref<1x!tpu.dma_semaphore, #tpu.memory_space<semaphore_mem>>
    %dma_start3A_2 = tpu.memref_squeeze %dma_start3A_1 : memref<1x!tpu.dma_semaphore, #tpu.memory_space<semaphore_mem>> -> memref<!tpu.dma_semaphore, #tpu.memory_space<semaphore_mem>>
    %dma_start3A_3 = arith.constant 0 : i32
    %dma_start3A_4 = arith.constant 0 : i32
    %dma_start3A_5 = arith.constant 0 : i32
    %dma_start3A_6 = tpu.memref_slice %arg0[%dma_start3A, %dma_start3A_3, %dma_start3A_4, %dma_start3A_5] : memref<4x224x224x384xf32, #tpu.memory_space<any>> -> memref<1x14x224x384xf32, #tpu.memory_space<any>>
    %dma_start3A_7 = tpu.memref_squeeze %dma_start3A_6 : memref<1x14x224x384xf32, #tpu.memory_space<any>> -> memref<14x224x384xf32, #tpu.memory_space<any>>
    tpu.enqueue_dma source(%dma_start3A_7 : memref<14x224x384xf32, #tpu.memory_space<any>>) target(%arg2 : memref<14x224x384xf32, #tpu.memory_space<vmem>>) target_semaphore(%dma_start3A_2 : memref<!tpu.dma_semaphore, #tpu.memory_space<semaphore_mem>>)
    %dma_start3A_8 = arith.constant 0 : i32
    %dma_start3A_9 = arith.constant 1 : i32
    %dma_start3A_10 = tpu.memref_slice %arg6[%dma_start3A_9] : memref<4x!tpu.dma_semaphore, #tpu.memory_space<semaphore_mem>> -> memref<1x!tpu.dma_semaphore, #tpu.memory_space<semaphore_mem>>
    %dma_start3A_11 = tpu.memref_squeeze %dma_start3A_10 : memref<1x!tpu.dma_semaphore, #tpu.memory_space<semaphore_mem>> -> memref<!tpu.dma_semaphore, #tpu.memory_space<semaphore_mem>>
    %dma_start3A_12 = arith.constant 14 : i32
    %dma_start3A_13 = arith.constant 0 : i32
    %dma_start3A_14 = arith.constant 0 : i32
    %dma_start3A_15 = tpu.memref_slice %arg0[%dma_start3A_8, %dma_start3A_12, %dma_start3A_13, %dma_start3A_14] : memref<4x224x224x384xf32, #tpu.memory_space<any>> -> memref<1x14x224x384xf32, #tpu.memory_space<any>>
    %dma_start3A_16 = tpu.memref_squeeze %dma_start3A_15 : memref<1x14x224x384xf32, #tpu.memory_space<any>> -> memref<14x224x384xf32, #tpu.memory_space<any>>
    tpu.enqueue_dma source(%dma_start3A_16 : memref<14x224x384xf32, #tpu.memory_space<any>>) target(%arg3 : memref<14x224x384xf32, #tpu.memory_space<vmem>>) target_semaphore(%dma_start3A_11 : memref<!tpu.dma_semaphore, #tpu.memory_space<semaphore_mem>>)
    %dma_start3A_17 = arith.constant 0 : i32
    %dma_start3A_18 = arith.constant 2 : i32
    %dma_start3A_19 = tpu.memref_slice %arg6[%dma_start3A_18] : memref<4x!tpu.dma_semaphore, #tpu.memory_space<semaphore_mem>> -> memref<1x!tpu.dma_semaphore, #tpu.memory_space<semaphore_mem>>
    %dma_start3A_20 = tpu.memref_squeeze %dma_start3A_19 : memref<1x!tpu.dma_semaphore, #tpu.memory_space<semaphore_mem>> -> memref<!tpu.dma_semaphore, #tpu.memory_space<semaphore_mem>>
    %dma_start3A_21 = arith.constant 28 : i32
    %dma_start3A_22 = arith.constant 0 : i32
    %dma_start3A_23 = arith.constant 0 : i32
    %dma_start3A_24 = tpu.memref_slice %arg0[%dma_start3A_17, %dma_start3A_21, %dma_start3A_22, %dma_start3A_23] : memref<4x224x224x384xf32, #tpu.memory_space<any>> -> memref<1x14x224x384xf32, #tpu.memory_space<any>>
    %dma_start3A_25 = tpu.memref_squeeze %dma_start3A_24 : memref<1x14x224x384xf32, #tpu.memory_space<any>> -> memref<14x224x384xf32, #tpu.memory_space<any>>
    tpu.enqueue_dma source(%dma_start3A_25 : memref<14x224x384xf32, #tpu.memory_space<any>>) target(%arg4 : memref<14x224x384xf32, #tpu.memory_space<vmem>>) target_semaphore(%dma_start3A_20 : memref<!tpu.dma_semaphore, #tpu.memory_space<semaphore_mem>>)
    %scan3A = arith.constant 0 : i32
    %scan3A_26 = arith.constant 12 : i32
    %scan3A_27 = arith.addi %scan3A, %scan3A_26 : i32
    %scan3A_28 = arith.constant 1 : i32
    scf.for %scan3A_30 = %scan3A to %scan3A_27 step %scan3A_28  : i32 {
      %mul3A = arith.constant 4 : i32
      %mul3A_31 = arith.muli %mul3A, %scan3A_30 : i32
      %add3A = arith.constant 0 : i32
      %add3A_32 = arith.addi %mul3A_31, %add3A : i32
      %dma_wait3A = arith.constant 0 : i32
      %dma_wait3A_33 = arith.constant 0 : i32
      %dma_wait3A_34 = tpu.memref_slice %arg6[%dma_wait3A_33] : memref<4x!tpu.dma_semaphore, #tpu.memory_space<semaphore_mem>> -> memref<1x!tpu.dma_semaphore, #tpu.memory_space<semaphore_mem>>
      %dma_wait3A_35 = tpu.memref_squeeze %dma_wait3A_34 : memref<1x!tpu.dma_semaphore, #tpu.memory_space<semaphore_mem>> -> memref<!tpu.dma_semaphore, #tpu.memory_space<semaphore_mem>>
      %dma_wait3A_36 = arith.constant 0 : i32
      %dma_wait3A_37 = arith.constant 0 : i32
      %dma_wait3A_38 = arith.constant 0 : i32
      %dma_wait3A_39 = tpu.memref_slice %arg0[%dma_wait3A, %dma_wait3A_36, %dma_wait3A_37, %dma_wait3A_38] : memref<4x224x224x384xf32, #tpu.memory_space<any>> -> memref<1x14x224x384xf32, #tpu.memory_space<any>>
      %dma_wait3A_40 = tpu.memref_squeeze %dma_wait3A_39 : memref<1x14x224x384xf32, #tpu.memory_space<any>> -> memref<14x224x384xf32, #tpu.memory_space<any>>
      tpu.wait_dma2 semaphore(%dma_wait3A_35 : memref<!tpu.dma_semaphore, #tpu.memory_space<semaphore_mem>>) src(%dma_wait3A_40 : memref<14x224x384xf32, #tpu.memory_space<any>>) dst(%arg2 : memref<14x224x384xf32, #tpu.memory_space<vmem>>)
      %add3A_41 = arith.constant 4 : i32
      %add3A_42 = arith.addi %add3A_32, %add3A_41 : i32
      %sub3A = arith.constant 1 : i32
      %sub3A_43 = arith.subi %add3A_42, %sub3A : i32
      %lt3A = arith.constant 48 : i32
      %lt3A_44 = arith.cmpi slt, %sub3A_43, %lt3A : i32
      %convert_element_type3A = arith.extui %lt3A_44 : i1 to i32
      %cond3A = arith.constant 0 : i32
      %cond3A_45 = arith.cmpi ne, %convert_element_type3A, %cond3A : i32
      scf.if %cond3A_45 {
        %add3A_398 = arith.constant 4 : i32
        %add3A_399 = arith.addi %add3A_32, %add3A_398 : i32
        %sub3A_400 = arith.constant 1 : i32
        %sub3A_401 = arith.subi %add3A_399, %sub3A_400 : i32
        %jit3A_402 = arith.constant 16 : i32
        %div3A_403 = arith.divsi %sub3A_401, %jit3A_402 : i32
        %sign3A_404 = arith.constant 0 : i32
        %sign3A_405 = arith.cmpi sgt, %sub3A_401, %sign3A_404 : i32
        %sign3A_406 = arith.extui %sign3A_405 : i1 to i32
        %sign3A_407 = arith.constant 0 : i32
        %sign3A_408 = arith.cmpi slt, %sub3A_401, %sign3A_407 : i32
        %sign3A_409 = arith.extui %sign3A_408 : i1 to i32
        %sign3A_410 = arith.subi %sign3A_406, %sign3A_409 : i32
        %sign3A_411 = arith.constant 0 : i32
        %sign3A_412 = arith.cmpi sgt, %jit3A_402, %sign3A_411 : i32
        %sign3A_413 = arith.extui %sign3A_412 : i1 to i32
        %sign3A_414 = arith.constant 0 : i32
        %sign3A_415 = arith.cmpi slt, %jit3A_402, %sign3A_414 : i32
        %sign3A_416 = arith.extui %sign3A_415 : i1 to i32
        %sign3A_417 = arith.subi %sign3A_413, %sign3A_416 : i32
        %ne3A_418 = arith.cmpi ne, %sign3A_410, %sign3A_417 : i32
        %rem3A_419 = arith.remsi %sub3A_401, %jit3A_402 : i32
        %ne3A_420 = arith.constant 0 : i32
        %ne3A_421 = arith.cmpi ne, %rem3A_419, %ne3A_420 : i32
        %and3A_422 = arith.andi %ne3A_418, %ne3A_421 : i1
        %sub3A_423 = arith.constant 1 : i32
        %sub3A_424 = arith.subi %div3A_403, %sub3A_423 : i32
        %select_n3A_425 = arith.select %and3A_422, %sub3A_424, %div3A_403 : i32
        %jit3A_426 = arith.constant 16 : i32
        %eq3A_427 = arith.constant 0 : i32
        %eq3A_428 = arith.cmpi eq, %jit3A_426, %eq3A_427 : i32
        %jit3A_429 = arith.constant 1 : i32
        %select_n3A_430 = arith.select %eq3A_428, %jit3A_429, %jit3A_426 : i32
        %rem3A_431 = arith.remsi %sub3A_401, %select_n3A_430 : i32
        %ne3A_432 = arith.constant 0 : i32
        %ne3A_433 = arith.cmpi ne, %rem3A_431, %ne3A_432 : i32
        %lt3A_434 = arith.constant 0 : i32
        %lt3A_435 = arith.cmpi slt, %rem3A_431, %lt3A_434 : i32
        %lt3A_436 = arith.constant 0 : i32
        %lt3A_437 = arith.cmpi slt, %select_n3A_430, %lt3A_436 : i32
        %ne3A_438 = arith.xori %lt3A_435, %lt3A_437 : i1
        %and3A_439 = arith.andi %ne3A_438, %ne3A_433 : i1
        %add3A_440 = arith.addi %rem3A_431, %select_n3A_430 : i32
        %select_n3A_441 = arith.select %and3A_439, %add3A_440, %rem3A_431 : i32
        %mul3A_442 = arith.constant 14 : i32
        %mul3A_443 = arith.muli %select_n3A_441, %mul3A_442 : i32
        %dma_start3A_444 = arith.constant 3 : i32
        %dma_start3A_445 = tpu.memref_slice %arg6[%dma_start3A_444] : memref<4x!tpu.dma_semaphore, #tpu.memory_space<semaphore_mem>> -> memref<1x!tpu.dma_semaphore, #tpu.memory_space<semaphore_mem>>
        %dma_start3A_446 = tpu.memref_squeeze %dma_start3A_445 : memref<1x!tpu.dma_semaphore, #tpu.memory_space<semaphore_mem>> -> memref<!tpu.dma_semaphore, #tpu.memory_space<semaphore_mem>>
        %dma_start3A_447 = arith.constant 0 : i32
        %dma_start3A_448 = arith.constant 0 : i32
        %dma_start3A_449 = tpu.memref_slice %arg0[%select_n3A_425, %mul3A_443, %dma_start3A_447, %dma_start3A_448] : memref<4x224x224x384xf32, #tpu.memory_space<any>> -> memref<1x14x224x384xf32, #tpu.memory_space<any>>
        %dma_start3A_450 = tpu.memref_squeeze %dma_start3A_449 : memref<1x14x224x384xf32, #tpu.memory_space<any>> -> memref<14x224x384xf32, #tpu.memory_space<any>>
        tpu.enqueue_dma source(%dma_start3A_450 : memref<14x224x384xf32, #tpu.memory_space<any>>) target(%arg5 : memref<14x224x384xf32, #tpu.memory_space<vmem>>) target_semaphore(%dma_start3A_446 : memref<!tpu.dma_semaphore, #tpu.memory_space<semaphore_mem>>)
      } else {
      }
      %get3A = arith.constant 0 : index
      %get3A_46 = arith.constant 0 : index
      %get3A_47 = arith.constant 0 : index
      %get3A_48 = vector.load %arg2[%get3A, %get3A_46, %get3A_47] : memref<14x224x384xf32, #tpu.memory_space<vmem>>, vector<14x224x384xf32>
      %reduce_sum3A = arith.constant dense<0.000000e+00> : vector<224x384xf32>
      %reduce_sum3A_49 = vector.multi_reduction <add>, %get3A_48, %reduce_sum3A [0] : vector<14x224x384xf32> to vector<224x384xf32>
      %reduce_sum3A_50 = arith.constant dense<0.000000e+00> : vector<384xf32>
      %reduce_sum3A_51 = vector.multi_reduction <add>, %reduce_sum3A_49, %reduce_sum3A_50 [0] : vector<224x384xf32> to vector<384xf32>
      %jit3A = arith.constant 16 : i32
      %div3A = arith.divsi %add3A_32, %jit3A : i32
      %sign3A = arith.constant 0 : i32
      %sign3A_52 = arith.cmpi sgt, %add3A_32, %sign3A : i32
      %sign3A_53 = arith.extui %sign3A_52 : i1 to i32
      %sign3A_54 = arith.constant 0 : i32
      %sign3A_55 = arith.cmpi slt, %add3A_32, %sign3A_54 : i32
      %sign3A_56 = arith.extui %sign3A_55 : i1 to i32
      %sign3A_57 = arith.subi %sign3A_53, %sign3A_56 : i32
      %sign3A_58 = arith.constant 0 : i32
      %sign3A_59 = arith.cmpi sgt, %jit3A, %sign3A_58 : i32
      %sign3A_60 = arith.extui %sign3A_59 : i1 to i32
      %sign3A_61 = arith.constant 0 : i32
      %sign3A_62 = arith.cmpi slt, %jit3A, %sign3A_61 : i32
      %sign3A_63 = arith.extui %sign3A_62 : i1 to i32
      %sign3A_64 = arith.subi %sign3A_60, %sign3A_63 : i32
      %ne3A = arith.cmpi ne, %sign3A_57, %sign3A_64 : i32
      %rem3A = arith.remsi %add3A_32, %jit3A : i32
      %ne3A_65 = arith.constant 0 : i32
      %ne3A_66 = arith.cmpi ne, %rem3A, %ne3A_65 : i32
      %and3A = arith.andi %ne3A, %ne3A_66 : i1
      %sub3A_67 = arith.constant 1 : i32
      %sub3A_68 = arith.subi %div3A, %sub3A_67 : i32
      %select_n3A = arith.select %and3A, %sub3A_68, %div3A : i32
      %jit3A_69 = arith.constant 16 : i32
      %eq3A = arith.constant 0 : i32
      %eq3A_70 = arith.cmpi eq, %jit3A_69, %eq3A : i32
      %jit3A_71 = arith.constant 1 : i32
      %select_n3A_72 = arith.select %eq3A_70, %jit3A_71, %jit3A_69 : i32
      %rem3A_73 = arith.remsi %add3A_32, %select_n3A_72 : i32
      %ne3A_74 = arith.constant 0 : i32
      %ne3A_75 = arith.cmpi ne, %rem3A_73, %ne3A_74 : i32
      %lt3A_76 = arith.constant 0 : i32
      %lt3A_77 = arith.cmpi slt, %rem3A_73, %lt3A_76 : i32
      %lt3A_78 = arith.constant 0 : i32
      %lt3A_79 = arith.cmpi slt, %select_n3A_72, %lt3A_78 : i32
      %ne3A_80 = arith.xori %lt3A_77, %lt3A_79 : i1
      %and3A_81 = arith.andi %ne3A_80, %ne3A_75 : i1
      %add3A_82 = arith.addi %rem3A_73, %select_n3A_72 : i32
      %select_n3A_83 = arith.select %and3A_81, %add3A_82, %rem3A_73 : i32
      %eq3A_84 = arith.constant 0 : i32
      %eq3A_85 = arith.cmpi eq, %select_n3A_83, %eq3A_84 : i32
      %convert_element_type3A_86 = arith.extui %eq3A_85 : i1 to i32
      %cond3A_87 = arith.constant 0 : i32
      %cond3A_88 = arith.cmpi ne, %convert_element_type3A_86, %cond3A_87 : i32
      scf.if %cond3A_88 {
        %swap3A = arith.index_cast %select_n3A : i32 to index
        %swap3A_398 = arith.constant 0 : index
        %swap3A_399 = vector.load %arg1[%swap3A, %swap3A_398] : memref<3x384xf32, #tpu.memory_space<vmem>>, vector<1x384xf32>
        %swap3A_400 = vector.shape_cast %swap3A_399 : vector<1x384xf32> to vector<384xf32>
        %swap3A_401 = vector.shape_cast %reduce_sum3A_51 : vector<384xf32> to vector<1x384xf32>
        tpu.vector_store %arg1[%swap3A, %swap3A_398], %swap3A_401 {strides = array<i32>} : memref<3x384xf32, #tpu.memory_space<vmem>>, vector<1x384xf32>,
      } else {
      }
      %jit3A_89 = arith.constant 16 : i32
      %eq3A_90 = arith.constant 0 : i32
      %eq3A_91 = arith.cmpi eq, %jit3A_89, %eq3A_90 : i32
      %jit3A_92 = arith.constant 1 : i32
      %select_n3A_93 = arith.select %eq3A_91, %jit3A_92, %jit3A_89 : i32
      %rem3A_94 = arith.remsi %add3A_32, %select_n3A_93 : i32
      %ne3A_95 = arith.constant 0 : i32
      %ne3A_96 = arith.cmpi ne, %rem3A_94, %ne3A_95 : i32
      %lt3A_97 = arith.constant 0 : i32
      %lt3A_98 = arith.cmpi slt, %rem3A_94, %lt3A_97 : i32
      %lt3A_99 = arith.constant 0 : i32
      %lt3A_100 = arith.cmpi slt, %select_n3A_93, %lt3A_99 : i32
      %ne3A_101 = arith.xori %lt3A_98, %lt3A_100 : i1
      %and3A_102 = arith.andi %ne3A_101, %ne3A_96 : i1
      %add3A_103 = arith.addi %rem3A_94, %select_n3A_93 : i32
      %select_n3A_104 = arith.select %and3A_102, %add3A_103, %rem3A_94 : i32
      %ne3A_105 = arith.constant 0 : i32
      %ne3A_106 = arith.cmpi ne, %select_n3A_104, %ne3A_105 : i32
      %convert_element_type3A_107 = arith.extui %ne3A_106 : i1 to i32
      %cond3A_108 = arith.constant 0 : i32
      %cond3A_109 = arith.cmpi ne, %convert_element_type3A_107, %cond3A_108 : i32
      scf.if %cond3A_109 {
        %get3A_398 = arith.index_cast %select_n3A : i32 to index
        %get3A_399 = arith.constant 0 : index
        %get3A_400 = vector.load %arg1[%get3A_398, %get3A_399] : memref<3x384xf32, #tpu.memory_space<vmem>>, vector<1x384xf32>
        %get3A_401 = vector.shape_cast %get3A_400 : vector<1x384xf32> to vector<384xf32>
        %add3A_402 = arith.addf %get3A_401, %reduce_sum3A_51 : vector<384xf32>
        %swap3A = arith.index_cast %select_n3A : i32 to index
        %swap3A_403 = arith.constant 0 : index
        %swap3A_404 = vector.load %arg1[%swap3A, %swap3A_403] : memref<3x384xf32, #tpu.memory_space<vmem>>, vector<1x384xf32>
        %swap3A_405 = vector.shape_cast %swap3A_404 : vector<1x384xf32> to vector<384xf32>
        %swap3A_406 = vector.shape_cast %add3A_402 : vector<384xf32> to vector<1x384xf32>
        tpu.vector_store %arg1[%swap3A, %swap3A_403], %swap3A_406 {strides = array<i32>} : memref<3x384xf32, #tpu.memory_space<vmem>>, vector<1x384xf32>,
      } else {
      }
      %mul3A_110 = arith.constant 4 : i32
      %mul3A_111 = arith.muli %mul3A_110, %scan3A_30 : i32
      %add3A_112 = arith.constant 1 : i32
      %add3A_113 = arith.addi %mul3A_111, %add3A_112 : i32
      %dma_wait3A_114 = arith.constant 0 : i32
      %dma_wait3A_115 = arith.constant 1 : i32
      %dma_wait3A_116 = tpu.memref_slice %arg6[%dma_wait3A_115] : memref<4x!tpu.dma_semaphore, #tpu.memory_space<semaphore_mem>> -> memref<1x!tpu.dma_semaphore, #tpu.memory_space<semaphore_mem>>
      %dma_wait3A_117 = tpu.memref_squeeze %dma_wait3A_116 : memref<1x!tpu.dma_semaphore, #tpu.memory_space<semaphore_mem>> -> memref<!tpu.dma_semaphore, #tpu.memory_space<semaphore_mem>>
      %dma_wait3A_118 = arith.constant 0 : i32
      %dma_wait3A_119 = arith.constant 0 : i32
      %dma_wait3A_120 = arith.constant 0 : i32
      %dma_wait3A_121 = tpu.memref_slice %arg0[%dma_wait3A_114, %dma_wait3A_118, %dma_wait3A_119, %dma_wait3A_120] : memref<4x224x224x384xf32, #tpu.memory_space<any>> -> memref<1x14x224x384xf32, #tpu.memory_space<any>>
      %dma_wait3A_122 = tpu.memref_squeeze %dma_wait3A_121 : memref<1x14x224x384xf32, #tpu.memory_space<any>> -> memref<14x224x384xf32, #tpu.memory_space<any>>
      tpu.wait_dma2 semaphore(%dma_wait3A_117 : memref<!tpu.dma_semaphore, #tpu.memory_space<semaphore_mem>>) src(%dma_wait3A_122 : memref<14x224x384xf32, #tpu.memory_space<any>>) dst(%arg3 : memref<14x224x384xf32, #tpu.memory_space<vmem>>)
      %add3A_123 = arith.constant 4 : i32
      %add3A_124 = arith.addi %add3A_113, %add3A_123 : i32
      %sub3A_125 = arith.constant 1 : i32
      %sub3A_126 = arith.subi %add3A_124, %sub3A_125 : i32
      %lt3A_127 = arith.constant 48 : i32
      %lt3A_128 = arith.cmpi slt, %sub3A_126, %lt3A_127 : i32
      %convert_element_type3A_129 = arith.extui %lt3A_128 : i1 to i32
      %cond3A_130 = arith.constant 0 : i32
      %cond3A_131 = arith.cmpi ne, %convert_element_type3A_129, %cond3A_130 : i32
      scf.if %cond3A_131 {
        %add3A_398 = arith.constant 4 : i32
        %add3A_399 = arith.addi %add3A_113, %add3A_398 : i32
        %sub3A_400 = arith.constant 1 : i32
        %sub3A_401 = arith.subi %add3A_399, %sub3A_400 : i32
        %jit3A_402 = arith.constant 16 : i32
        %div3A_403 = arith.divsi %sub3A_401, %jit3A_402 : i32
        %sign3A_404 = arith.constant 0 : i32
        %sign3A_405 = arith.cmpi sgt, %sub3A_401, %sign3A_404 : i32
        %sign3A_406 = arith.extui %sign3A_405 : i1 to i32
        %sign3A_407 = arith.constant 0 : i32
        %sign3A_408 = arith.cmpi slt, %sub3A_401, %sign3A_407 : i32
        %sign3A_409 = arith.extui %sign3A_408 : i1 to i32
        %sign3A_410 = arith.subi %sign3A_406, %sign3A_409 : i32
        %sign3A_411 = arith.constant 0 : i32
        %sign3A_412 = arith.cmpi sgt, %jit3A_402, %sign3A_411 : i32
        %sign3A_413 = arith.extui %sign3A_412 : i1 to i32
        %sign3A_414 = arith.constant 0 : i32
        %sign3A_415 = arith.cmpi slt, %jit3A_402, %sign3A_414 : i32
        %sign3A_416 = arith.extui %sign3A_415 : i1 to i32
        %sign3A_417 = arith.subi %sign3A_413, %sign3A_416 : i32
        %ne3A_418 = arith.cmpi ne, %sign3A_410, %sign3A_417 : i32
        %rem3A_419 = arith.remsi %sub3A_401, %jit3A_402 : i32
        %ne3A_420 = arith.constant 0 : i32
        %ne3A_421 = arith.cmpi ne, %rem3A_419, %ne3A_420 : i32
        %and3A_422 = arith.andi %ne3A_418, %ne3A_421 : i1
        %sub3A_423 = arith.constant 1 : i32
        %sub3A_424 = arith.subi %div3A_403, %sub3A_423 : i32
        %select_n3A_425 = arith.select %and3A_422, %sub3A_424, %div3A_403 : i32
        %jit3A_426 = arith.constant 16 : i32
        %eq3A_427 = arith.constant 0 : i32
        %eq3A_428 = arith.cmpi eq, %jit3A_426, %eq3A_427 : i32
        %jit3A_429 = arith.constant 1 : i32
        %select_n3A_430 = arith.select %eq3A_428, %jit3A_429, %jit3A_426 : i32
        %rem3A_431 = arith.remsi %sub3A_401, %select_n3A_430 : i32
        %ne3A_432 = arith.constant 0 : i32
        %ne3A_433 = arith.cmpi ne, %rem3A_431, %ne3A_432 : i32
        %lt3A_434 = arith.constant 0 : i32
        %lt3A_435 = arith.cmpi slt, %rem3A_431, %lt3A_434 : i32
        %lt3A_436 = arith.constant 0 : i32
        %lt3A_437 = arith.cmpi slt, %select_n3A_430, %lt3A_436 : i32
        %ne3A_438 = arith.xori %lt3A_435, %lt3A_437 : i1
        %and3A_439 = arith.andi %ne3A_438, %ne3A_433 : i1
        %add3A_440 = arith.addi %rem3A_431, %select_n3A_430 : i32
        %select_n3A_441 = arith.select %and3A_439, %add3A_440, %rem3A_431 : i32
        %mul3A_442 = arith.constant 14 : i32
        %mul3A_443 = arith.muli %select_n3A_441, %mul3A_442 : i32
        %dma_start3A_444 = arith.constant 0 : i32
        %dma_start3A_445 = tpu.memref_slice %arg6[%dma_start3A_444] : memref<4x!tpu.dma_semaphore, #tpu.memory_space<semaphore_mem>> -> memref<1x!tpu.dma_semaphore, #tpu.memory_space<semaphore_mem>>
        %dma_start3A_446 = tpu.memref_squeeze %dma_start3A_445 : memref<1x!tpu.dma_semaphore, #tpu.memory_space<semaphore_mem>> -> memref<!tpu.dma_semaphore, #tpu.memory_space<semaphore_mem>>
        %dma_start3A_447 = arith.constant 0 : i32
        %dma_start3A_448 = arith.constant 0 : i32
        %dma_start3A_449 = tpu.memref_slice %arg0[%select_n3A_425, %mul3A_443, %dma_start3A_447, %dma_start3A_448] : memref<4x224x224x384xf32, #tpu.memory_space<any>> -> memref<1x14x224x384xf32, #tpu.memory_space<any>>
        %dma_start3A_450 = tpu.memref_squeeze %dma_start3A_449 : memref<1x14x224x384xf32, #tpu.memory_space<any>> -> memref<14x224x384xf32, #tpu.memory_space<any>>
        tpu.enqueue_dma source(%dma_start3A_450 : memref<14x224x384xf32, #tpu.memory_space<any>>) target(%arg2 : memref<14x224x384xf32, #tpu.memory_space<vmem>>) target_semaphore(%dma_start3A_446 : memref<!tpu.dma_semaphore, #tpu.memory_space<semaphore_mem>>)
      } else {
      }
      %get3A_132 = arith.constant 0 : index
      %get3A_133 = arith.constant 0 : index
      %get3A_134 = arith.constant 0 : index
      %get3A_135 = vector.load %arg3[%get3A_132, %get3A_133, %get3A_134] : memref<14x224x384xf32, #tpu.memory_space<vmem>>, vector<14x224x384xf32>
      %reduce_sum3A_136 = arith.constant dense<0.000000e+00> : vector<224x384xf32>
      %reduce_sum3A_137 = vector.multi_reduction <add>, %get3A_135, %reduce_sum3A_136 [0] : vector<14x224x384xf32> to vector<224x384xf32>
      %reduce_sum3A_138 = arith.constant dense<0.000000e+00> : vector<384xf32>
      %reduce_sum3A_139 = vector.multi_reduction <add>, %reduce_sum3A_137, %reduce_sum3A_138 [0] : vector<224x384xf32> to vector<384xf32>
      %jit3A_140 = arith.constant 16 : i32
      %div3A_141 = arith.divsi %add3A_113, %jit3A_140 : i32
      %sign3A_142 = arith.constant 0 : i32
      %sign3A_143 = arith.cmpi sgt, %add3A_113, %sign3A_142 : i32
      %sign3A_144 = arith.extui %sign3A_143 : i1 to i32
      %sign3A_145 = arith.constant 0 : i32
      %sign3A_146 = arith.cmpi slt, %add3A_113, %sign3A_145 : i32
      %sign3A_147 = arith.extui %sign3A_146 : i1 to i32
      %sign3A_148 = arith.subi %sign3A_144, %sign3A_147 : i32
      %sign3A_149 = arith.constant 0 : i32
      %sign3A_150 = arith.cmpi sgt, %jit3A_140, %sign3A_149 : i32
      %sign3A_151 = arith.extui %sign3A_150 : i1 to i32
      %sign3A_152 = arith.constant 0 : i32
      %sign3A_153 = arith.cmpi slt, %jit3A_140, %sign3A_152 : i32
      %sign3A_154 = arith.extui %sign3A_153 : i1 to i32
      %sign3A_155 = arith.subi %sign3A_151, %sign3A_154 : i32
      %ne3A_156 = arith.cmpi ne, %sign3A_148, %sign3A_155 : i32
      %rem3A_157 = arith.remsi %add3A_113, %jit3A_140 : i32
      %ne3A_158 = arith.constant 0 : i32
      %ne3A_159 = arith.cmpi ne, %rem3A_157, %ne3A_158 : i32
      %and3A_160 = arith.andi %ne3A_156, %ne3A_159 : i1
      %sub3A_161 = arith.constant 1 : i32
      %sub3A_162 = arith.subi %div3A_141, %sub3A_161 : i32
      %select_n3A_163 = arith.select %and3A_160, %sub3A_162, %div3A_141 : i32
      %jit3A_164 = arith.constant 16 : i32
      %eq3A_165 = arith.constant 0 : i32
      %eq3A_166 = arith.cmpi eq, %jit3A_164, %eq3A_165 : i32
      %jit3A_167 = arith.constant 1 : i32
      %select_n3A_168 = arith.select %eq3A_166, %jit3A_167, %jit3A_164 : i32
      %rem3A_169 = arith.remsi %add3A_113, %select_n3A_168 : i32
      %ne3A_170 = arith.constant 0 : i32
      %ne3A_171 = arith.cmpi ne, %rem3A_169, %ne3A_170 : i32
      %lt3A_172 = arith.constant 0 : i32
      %lt3A_173 = arith.cmpi slt, %rem3A_169, %lt3A_172 : i32
      %lt3A_174 = arith.constant 0 : i32
      %lt3A_175 = arith.cmpi slt, %select_n3A_168, %lt3A_174 : i32
      %ne3A_176 = arith.xori %lt3A_173, %lt3A_175 : i1
      %and3A_177 = arith.andi %ne3A_176, %ne3A_171 : i1
      %add3A_178 = arith.addi %rem3A_169, %select_n3A_168 : i32
      %select_n3A_179 = arith.select %and3A_177, %add3A_178, %rem3A_169 : i32
      %eq3A_180 = arith.constant 0 : i32
      %eq3A_181 = arith.cmpi eq, %select_n3A_179, %eq3A_180 : i32
      %convert_element_type3A_182 = arith.extui %eq3A_181 : i1 to i32
      %cond3A_183 = arith.constant 0 : i32
      %cond3A_184 = arith.cmpi ne, %convert_element_type3A_182, %cond3A_183 : i32
      scf.if %cond3A_184 {
        %swap3A = arith.index_cast %select_n3A_163 : i32 to index
        %swap3A_398 = arith.constant 0 : index
        %swap3A_399 = vector.load %arg1[%swap3A, %swap3A_398] : memref<3x384xf32, #tpu.memory_space<vmem>>, vector<1x384xf32>
        %swap3A_400 = vector.shape_cast %swap3A_399 : vector<1x384xf32> to vector<384xf32>
        %swap3A_401 = vector.shape_cast %reduce_sum3A_139 : vector<384xf32> to vector<1x384xf32>
        tpu.vector_store %arg1[%swap3A, %swap3A_398], %swap3A_401 {strides = array<i32>} : memref<3x384xf32, #tpu.memory_space<vmem>>, vector<1x384xf32>,
      } else {
      }
      %jit3A_185 = arith.constant 16 : i32
      %eq3A_186 = arith.constant 0 : i32
      %eq3A_187 = arith.cmpi eq, %jit3A_185, %eq3A_186 : i32
      %jit3A_188 = arith.constant 1 : i32
      %select_n3A_189 = arith.select %eq3A_187, %jit3A_188, %jit3A_185 : i32
      %rem3A_190 = arith.remsi %add3A_113, %select_n3A_189 : i32
      %ne3A_191 = arith.constant 0 : i32
      %ne3A_192 = arith.cmpi ne, %rem3A_190, %ne3A_191 : i32
      %lt3A_193 = arith.constant 0 : i32
      %lt3A_194 = arith.cmpi slt, %rem3A_190, %lt3A_193 : i32
      %lt3A_195 = arith.constant 0 : i32
      %lt3A_196 = arith.cmpi slt, %select_n3A_189, %lt3A_195 : i32
      %ne3A_197 = arith.xori %lt3A_194, %lt3A_196 : i1
      %and3A_198 = arith.andi %ne3A_197, %ne3A_192 : i1
      %add3A_199 = arith.addi %rem3A_190, %select_n3A_189 : i32
      %select_n3A_200 = arith.select %and3A_198, %add3A_199, %rem3A_190 : i32
      %ne3A_201 = arith.constant 0 : i32
      %ne3A_202 = arith.cmpi ne, %select_n3A_200, %ne3A_201 : i32
      %convert_element_type3A_203 = arith.extui %ne3A_202 : i1 to i32
      %cond3A_204 = arith.constant 0 : i32
      %cond3A_205 = arith.cmpi ne, %convert_element_type3A_203, %cond3A_204 : i32
      scf.if %cond3A_205 {
        %get3A_398 = arith.index_cast %select_n3A_163 : i32 to index
        %get3A_399 = arith.constant 0 : index
        %get3A_400 = vector.load %arg1[%get3A_398, %get3A_399] : memref<3x384xf32, #tpu.memory_space<vmem>>, vector<1x384xf32>
        %get3A_401 = vector.shape_cast %get3A_400 : vector<1x384xf32> to vector<384xf32>
        %add3A_402 = arith.addf %get3A_401, %reduce_sum3A_139 : vector<384xf32>
        %swap3A = arith.index_cast %select_n3A_163 : i32 to index
        %swap3A_403 = arith.constant 0 : index
        %swap3A_404 = vector.load %arg1[%swap3A, %swap3A_403] : memref<3x384xf32, #tpu.memory_space<vmem>>, vector<1x384xf32>
        %swap3A_405 = vector.shape_cast %swap3A_404 : vector<1x384xf32> to vector<384xf32>
        %swap3A_406 = vector.shape_cast %add3A_402 : vector<384xf32> to vector<1x384xf32>
        tpu.vector_store %arg1[%swap3A, %swap3A_403], %swap3A_406 {strides = array<i32>} : memref<3x384xf32, #tpu.memory_space<vmem>>, vector<1x384xf32>,
      } else {
      }
      %mul3A_206 = arith.constant 4 : i32
      %mul3A_207 = arith.muli %mul3A_206, %scan3A_30 : i32
      %add3A_208 = arith.constant 2 : i32
      %add3A_209 = arith.addi %mul3A_207, %add3A_208 : i32
      %dma_wait3A_210 = arith.constant 0 : i32
      %dma_wait3A_211 = arith.constant 2 : i32
      %dma_wait3A_212 = tpu.memref_slice %arg6[%dma_wait3A_211] : memref<4x!tpu.dma_semaphore, #tpu.memory_space<semaphore_mem>> -> memref<1x!tpu.dma_semaphore, #tpu.memory_space<semaphore_mem>>
      %dma_wait3A_213 = tpu.memref_squeeze %dma_wait3A_212 : memref<1x!tpu.dma_semaphore, #tpu.memory_space<semaphore_mem>> -> memref<!tpu.dma_semaphore, #tpu.memory_space<semaphore_mem>>
      %dma_wait3A_214 = arith.constant 0 : i32
      %dma_wait3A_215 = arith.constant 0 : i32
      %dma_wait3A_216 = arith.constant 0 : i32
      %dma_wait3A_217 = tpu.memref_slice %arg0[%dma_wait3A_210, %dma_wait3A_214, %dma_wait3A_215, %dma_wait3A_216] : memref<4x224x224x384xf32, #tpu.memory_space<any>> -> memref<1x14x224x384xf32, #tpu.memory_space<any>>
      %dma_wait3A_218 = tpu.memref_squeeze %dma_wait3A_217 : memref<1x14x224x384xf32, #tpu.memory_space<any>> -> memref<14x224x384xf32, #tpu.memory_space<any>>
      tpu.wait_dma2 semaphore(%dma_wait3A_213 : memref<!tpu.dma_semaphore, #tpu.memory_space<semaphore_mem>>) src(%dma_wait3A_218 : memref<14x224x384xf32, #tpu.memory_space<any>>) dst(%arg4 : memref<14x224x384xf32, #tpu.memory_space<vmem>>)
      %add3A_219 = arith.constant 4 : i32
      %add3A_220 = arith.addi %add3A_209, %add3A_219 : i32
      %sub3A_221 = arith.constant 1 : i32
      %sub3A_222 = arith.subi %add3A_220, %sub3A_221 : i32
      %lt3A_223 = arith.constant 48 : i32
      %lt3A_224 = arith.cmpi slt, %sub3A_222, %lt3A_223 : i32
      %convert_element_type3A_225 = arith.extui %lt3A_224 : i1 to i32
      %cond3A_226 = arith.constant 0 : i32
      %cond3A_227 = arith.cmpi ne, %convert_element_type3A_225, %cond3A_226 : i32
      scf.if %cond3A_227 {
        %add3A_398 = arith.constant 4 : i32
        %add3A_399 = arith.addi %add3A_209, %add3A_398 : i32
        %sub3A_400 = arith.constant 1 : i32
        %sub3A_401 = arith.subi %add3A_399, %sub3A_400 : i32
        %jit3A_402 = arith.constant 16 : i32
        %div3A_403 = arith.divsi %sub3A_401, %jit3A_402 : i32
        %sign3A_404 = arith.constant 0 : i32
        %sign3A_405 = arith.cmpi sgt, %sub3A_401, %sign3A_404 : i32
        %sign3A_406 = arith.extui %sign3A_405 : i1 to i32
        %sign3A_407 = arith.constant 0 : i32
        %sign3A_408 = arith.cmpi slt, %sub3A_401, %sign3A_407 : i32
        %sign3A_409 = arith.extui %sign3A_408 : i1 to i32
        %sign3A_410 = arith.subi %sign3A_406, %sign3A_409 : i32
        %sign3A_411 = arith.constant 0 : i32
        %sign3A_412 = arith.cmpi sgt, %jit3A_402, %sign3A_411 : i32
        %sign3A_413 = arith.extui %sign3A_412 : i1 to i32
        %sign3A_414 = arith.constant 0 : i32
        %sign3A_415 = arith.cmpi slt, %jit3A_402, %sign3A_414 : i32
        %sign3A_416 = arith.extui %sign3A_415 : i1 to i32
        %sign3A_417 = arith.subi %sign3A_413, %sign3A_416 : i32
        %ne3A_418 = arith.cmpi ne, %sign3A_410, %sign3A_417 : i32
        %rem3A_419 = arith.remsi %sub3A_401, %jit3A_402 : i32
        %ne3A_420 = arith.constant 0 : i32
        %ne3A_421 = arith.cmpi ne, %rem3A_419, %ne3A_420 : i32
        %and3A_422 = arith.andi %ne3A_418, %ne3A_421 : i1
        %sub3A_423 = arith.constant 1 : i32
        %sub3A_424 = arith.subi %div3A_403, %sub3A_423 : i32
        %select_n3A_425 = arith.select %and3A_422, %sub3A_424, %div3A_403 : i32
        %jit3A_426 = arith.constant 16 : i32
        %eq3A_427 = arith.constant 0 : i32
        %eq3A_428 = arith.cmpi eq, %jit3A_426, %eq3A_427 : i32
        %jit3A_429 = arith.constant 1 : i32
        %select_n3A_430 = arith.select %eq3A_428, %jit3A_429, %jit3A_426 : i32
        %rem3A_431 = arith.remsi %sub3A_401, %select_n3A_430 : i32
        %ne3A_432 = arith.constant 0 : i32
        %ne3A_433 = arith.cmpi ne, %rem3A_431, %ne3A_432 : i32
        %lt3A_434 = arith.constant 0 : i32
        %lt3A_435 = arith.cmpi slt, %rem3A_431, %lt3A_434 : i32
        %lt3A_436 = arith.constant 0 : i32
        %lt3A_437 = arith.cmpi slt, %select_n3A_430, %lt3A_436 : i32
        %ne3A_438 = arith.xori %lt3A_435, %lt3A_437 : i1
        %and3A_439 = arith.andi %ne3A_438, %ne3A_433 : i1
        %add3A_440 = arith.addi %rem3A_431, %select_n3A_430 : i32
        %select_n3A_441 = arith.select %and3A_439, %add3A_440, %rem3A_431 : i32
        %mul3A_442 = arith.constant 14 : i32
        %mul3A_443 = arith.muli %select_n3A_441, %mul3A_442 : i32
        %dma_start3A_444 = arith.constant 1 : i32
        %dma_start3A_445 = tpu.memref_slice %arg6[%dma_start3A_444] : memref<4x!tpu.dma_semaphore, #tpu.memory_space<semaphore_mem>> -> memref<1x!tpu.dma_semaphore, #tpu.memory_space<semaphore_mem>>
        %dma_start3A_446 = tpu.memref_squeeze %dma_start3A_445 : memref<1x!tpu.dma_semaphore, #tpu.memory_space<semaphore_mem>> -> memref<!tpu.dma_semaphore, #tpu.memory_space<semaphore_mem>>
        %dma_start3A_447 = arith.constant 0 : i32
        %dma_start3A_448 = arith.constant 0 : i32
        %dma_start3A_449 = tpu.memref_slice %arg0[%select_n3A_425, %mul3A_443, %dma_start3A_447, %dma_start3A_448] : memref<4x224x224x384xf32, #tpu.memory_space<any>> -> memref<1x14x224x384xf32, #tpu.memory_space<any>>
        %dma_start3A_450 = tpu.memref_squeeze %dma_start3A_449 : memref<1x14x224x384xf32, #tpu.memory_space<any>> -> memref<14x224x384xf32, #tpu.memory_space<any>>
        tpu.enqueue_dma source(%dma_start3A_450 : memref<14x224x384xf32, #tpu.memory_space<any>>) target(%arg3 : memref<14x224x384xf32, #tpu.memory_space<vmem>>) target_semaphore(%dma_start3A_446 : memref<!tpu.dma_semaphore, #tpu.memory_space<semaphore_mem>>)
      } else {
      }
      %get3A_228 = arith.constant 0 : index
      %get3A_229 = arith.constant 0 : index
      %get3A_230 = arith.constant 0 : index
      %get3A_231 = vector.load %arg4[%get3A_228, %get3A_229, %get3A_230] : memref<14x224x384xf32, #tpu.memory_space<vmem>>, vector<14x224x384xf32>
      %reduce_sum3A_232 = arith.constant dense<0.000000e+00> : vector<224x384xf32>
      %reduce_sum3A_233 = vector.multi_reduction <add>, %get3A_231, %reduce_sum3A_232 [0] : vector<14x224x384xf32> to vector<224x384xf32>
      %reduce_sum3A_234 = arith.constant dense<0.000000e+00> : vector<384xf32>
      %reduce_sum3A_235 = vector.multi_reduction <add>, %reduce_sum3A_233, %reduce_sum3A_234 [0] : vector<224x384xf32> to vector<384xf32>
      %jit3A_236 = arith.constant 16 : i32
      %div3A_237 = arith.divsi %add3A_209, %jit3A_236 : i32
      %sign3A_238 = arith.constant 0 : i32
      %sign3A_239 = arith.cmpi sgt, %add3A_209, %sign3A_238 : i32
      %sign3A_240 = arith.extui %sign3A_239 : i1 to i32
      %sign3A_241 = arith.constant 0 : i32
      %sign3A_242 = arith.cmpi slt, %add3A_209, %sign3A_241 : i32
      %sign3A_243 = arith.extui %sign3A_242 : i1 to i32
      %sign3A_244 = arith.subi %sign3A_240, %sign3A_243 : i32
      %sign3A_245 = arith.constant 0 : i32
      %sign3A_246 = arith.cmpi sgt, %jit3A_236, %sign3A_245 : i32
      %sign3A_247 = arith.extui %sign3A_246 : i1 to i32
      %sign3A_248 = arith.constant 0 : i32
      %sign3A_249 = arith.cmpi slt, %jit3A_236, %sign3A_248 : i32
      %sign3A_250 = arith.extui %sign3A_249 : i1 to i32
      %sign3A_251 = arith.subi %sign3A_247, %sign3A_250 : i32
      %ne3A_252 = arith.cmpi ne, %sign3A_244, %sign3A_251 : i32
      %rem3A_253 = arith.remsi %add3A_209, %jit3A_236 : i32
      %ne3A_254 = arith.constant 0 : i32
      %ne3A_255 = arith.cmpi ne, %rem3A_253, %ne3A_254 : i32
      %and3A_256 = arith.andi %ne3A_252, %ne3A_255 : i1
      %sub3A_257 = arith.constant 1 : i32
      %sub3A_258 = arith.subi %div3A_237, %sub3A_257 : i32
      %select_n3A_259 = arith.select %and3A_256, %sub3A_258, %div3A_237 : i32
      %jit3A_260 = arith.constant 16 : i32
      %eq3A_261 = arith.constant 0 : i32
      %eq3A_262 = arith.cmpi eq, %jit3A_260, %eq3A_261 : i32
      %jit3A_263 = arith.constant 1 : i32
      %select_n3A_264 = arith.select %eq3A_262, %jit3A_263, %jit3A_260 : i32
      %rem3A_265 = arith.remsi %add3A_209, %select_n3A_264 : i32
      %ne3A_266 = arith.constant 0 : i32
      %ne3A_267 = arith.cmpi ne, %rem3A_265, %ne3A_266 : i32
      %lt3A_268 = arith.constant 0 : i32
      %lt3A_269 = arith.cmpi slt, %rem3A_265, %lt3A_268 : i32
      %lt3A_270 = arith.constant 0 : i32
      %lt3A_271 = arith.cmpi slt, %select_n3A_264, %lt3A_270 : i32
      %ne3A_272 = arith.xori %lt3A_269, %lt3A_271 : i1
      %and3A_273 = arith.andi %ne3A_272, %ne3A_267 : i1
      %add3A_274 = arith.addi %rem3A_265, %select_n3A_264 : i32
      %select_n3A_275 = arith.select %and3A_273, %add3A_274, %rem3A_265 : i32
      %eq3A_276 = arith.constant 0 : i32
      %eq3A_277 = arith.cmpi eq, %select_n3A_275, %eq3A_276 : i32
      %convert_element_type3A_278 = arith.extui %eq3A_277 : i1 to i32
      %cond3A_279 = arith.constant 0 : i32
      %cond3A_280 = arith.cmpi ne, %convert_element_type3A_278, %cond3A_279 : i32
      scf.if %cond3A_280 {
        %swap3A = arith.index_cast %select_n3A_259 : i32 to index
        %swap3A_398 = arith.constant 0 : index
        %swap3A_399 = vector.load %arg1[%swap3A, %swap3A_398] : memref<3x384xf32, #tpu.memory_space<vmem>>, vector<1x384xf32>
        %swap3A_400 = vector.shape_cast %swap3A_399 : vector<1x384xf32> to vector<384xf32>
        %swap3A_401 = vector.shape_cast %reduce_sum3A_235 : vector<384xf32> to vector<1x384xf32>
        tpu.vector_store %arg1[%swap3A, %swap3A_398], %swap3A_401 {strides = array<i32>} : memref<3x384xf32, #tpu.memory_space<vmem>>, vector<1x384xf32>,
      } else {
      }
      %jit3A_281 = arith.constant 16 : i32
      %eq3A_282 = arith.constant 0 : i32
      %eq3A_283 = arith.cmpi eq, %jit3A_281, %eq3A_282 : i32
      %jit3A_284 = arith.constant 1 : i32
      %select_n3A_285 = arith.select %eq3A_283, %jit3A_284, %jit3A_281 : i32
      %rem3A_286 = arith.remsi %add3A_209, %select_n3A_285 : i32
      %ne3A_287 = arith.constant 0 : i32
      %ne3A_288 = arith.cmpi ne, %rem3A_286, %ne3A_287 : i32
      %lt3A_289 = arith.constant 0 : i32
      %lt3A_290 = arith.cmpi slt, %rem3A_286, %lt3A_289 : i32
      %lt3A_291 = arith.constant 0 : i32
      %lt3A_292 = arith.cmpi slt, %select_n3A_285, %lt3A_291 : i32
      %ne3A_293 = arith.xori %lt3A_290, %lt3A_292 : i1
      %and3A_294 = arith.andi %ne3A_293, %ne3A_288 : i1
      %add3A_295 = arith.addi %rem3A_286, %select_n3A_285 : i32
      %select_n3A_296 = arith.select %and3A_294, %add3A_295, %rem3A_286 : i32
      %ne3A_297 = arith.constant 0 : i32
      %ne3A_298 = arith.cmpi ne, %select_n3A_296, %ne3A_297 : i32
      %convert_element_type3A_299 = arith.extui %ne3A_298 : i1 to i32
      %cond3A_300 = arith.constant 0 : i32
      %cond3A_301 = arith.cmpi ne, %convert_element_type3A_299, %cond3A_300 : i32
      scf.if %cond3A_301 {
        %get3A_398 = arith.index_cast %select_n3A_259 : i32 to index
        %get3A_399 = arith.constant 0 : index
        %get3A_400 = vector.load %arg1[%get3A_398, %get3A_399] : memref<3x384xf32, #tpu.memory_space<vmem>>, vector<1x384xf32>
        %get3A_401 = vector.shape_cast %get3A_400 : vector<1x384xf32> to vector<384xf32>
        %add3A_402 = arith.addf %get3A_401, %reduce_sum3A_235 : vector<384xf32>
        %swap3A = arith.index_cast %select_n3A_259 : i32 to index
        %swap3A_403 = arith.constant 0 : index
        %swap3A_404 = vector.load %arg1[%swap3A, %swap3A_403] : memref<3x384xf32, #tpu.memory_space<vmem>>, vector<1x384xf32>
        %swap3A_405 = vector.shape_cast %swap3A_404 : vector<1x384xf32> to vector<384xf32>
        %swap3A_406 = vector.shape_cast %add3A_402 : vector<384xf32> to vector<1x384xf32>
        tpu.vector_store %arg1[%swap3A, %swap3A_403], %swap3A_406 {strides = array<i32>} : memref<3x384xf32, #tpu.memory_space<vmem>>, vector<1x384xf32>,
      } else {
      }
      %mul3A_302 = arith.constant 4 : i32
      %mul3A_303 = arith.muli %mul3A_302, %scan3A_30 : i32
      %add3A_304 = arith.constant 3 : i32
      %add3A_305 = arith.addi %mul3A_303, %add3A_304 : i32
      %dma_wait3A_306 = arith.constant 0 : i32
      %dma_wait3A_307 = arith.constant 3 : i32
      %dma_wait3A_308 = tpu.memref_slice %arg6[%dma_wait3A_307] : memref<4x!tpu.dma_semaphore, #tpu.memory_space<semaphore_mem>> -> memref<1x!tpu.dma_semaphore, #tpu.memory_space<semaphore_mem>>
      %dma_wait3A_309 = tpu.memref_squeeze %dma_wait3A_308 : memref<1x!tpu.dma_semaphore, #tpu.memory_space<semaphore_mem>> -> memref<!tpu.dma_semaphore, #tpu.memory_space<semaphore_mem>>
      %dma_wait3A_310 = arith.constant 0 : i32
      %dma_wait3A_311 = arith.constant 0 : i32
      %dma_wait3A_312 = arith.constant 0 : i32
      %dma_wait3A_313 = tpu.memref_slice %arg0[%dma_wait3A_306, %dma_wait3A_310, %dma_wait3A_311, %dma_wait3A_312] : memref<4x224x224x384xf32, #tpu.memory_space<any>> -> memref<1x14x224x384xf32, #tpu.memory_space<any>>
      %dma_wait3A_314 = tpu.memref_squeeze %dma_wait3A_313 : memref<1x14x224x384xf32, #tpu.memory_space<any>> -> memref<14x224x384xf32, #tpu.memory_space<any>>
      tpu.wait_dma2 semaphore(%dma_wait3A_309 : memref<!tpu.dma_semaphore, #tpu.memory_space<semaphore_mem>>) src(%dma_wait3A_314 : memref<14x224x384xf32, #tpu.memory_space<any>>) dst(%arg5 : memref<14x224x384xf32, #tpu.memory_space<vmem>>)
      %add3A_315 = arith.constant 4 : i32
      %add3A_316 = arith.addi %add3A_305, %add3A_315 : i32
      %sub3A_317 = arith.constant 1 : i32
      %sub3A_318 = arith.subi %add3A_316, %sub3A_317 : i32
      %lt3A_319 = arith.constant 48 : i32
      %lt3A_320 = arith.cmpi slt, %sub3A_318, %lt3A_319 : i32
      %convert_element_type3A_321 = arith.extui %lt3A_320 : i1 to i32
      %cond3A_322 = arith.constant 0 : i32
      %cond3A_323 = arith.cmpi ne, %convert_element_type3A_321, %cond3A_322 : i32
      scf.if %cond3A_323 {
        %add3A_398 = arith.constant 4 : i32
        %add3A_399 = arith.addi %add3A_305, %add3A_398 : i32
        %sub3A_400 = arith.constant 1 : i32
        %sub3A_401 = arith.subi %add3A_399, %sub3A_400 : i32
        %jit3A_402 = arith.constant 16 : i32
        %div3A_403 = arith.divsi %sub3A_401, %jit3A_402 : i32
        %sign3A_404 = arith.constant 0 : i32
        %sign3A_405 = arith.cmpi sgt, %sub3A_401, %sign3A_404 : i32
        %sign3A_406 = arith.extui %sign3A_405 : i1 to i32
        %sign3A_407 = arith.constant 0 : i32
        %sign3A_408 = arith.cmpi slt, %sub3A_401, %sign3A_407 : i32
        %sign3A_409 = arith.extui %sign3A_408 : i1 to i32
        %sign3A_410 = arith.subi %sign3A_406, %sign3A_409 : i32
        %sign3A_411 = arith.constant 0 : i32
        %sign3A_412 = arith.cmpi sgt, %jit3A_402, %sign3A_411 : i32
        %sign3A_413 = arith.extui %sign3A_412 : i1 to i32
        %sign3A_414 = arith.constant 0 : i32
        %sign3A_415 = arith.cmpi slt, %jit3A_402, %sign3A_414 : i32
        %sign3A_416 = arith.extui %sign3A_415 : i1 to i32
        %sign3A_417 = arith.subi %sign3A_413, %sign3A_416 : i32
        %ne3A_418 = arith.cmpi ne, %sign3A_410, %sign3A_417 : i32
        %rem3A_419 = arith.remsi %sub3A_401, %jit3A_402 : i32
        %ne3A_420 = arith.constant 0 : i32
        %ne3A_421 = arith.cmpi ne, %rem3A_419, %ne3A_420 : i32
        %and3A_422 = arith.andi %ne3A_418, %ne3A_421 : i1
        %sub3A_423 = arith.constant 1 : i32
        %sub3A_424 = arith.subi %div3A_403, %sub3A_423 : i32
        %select_n3A_425 = arith.select %and3A_422, %sub3A_424, %div3A_403 : i32
        %jit3A_426 = arith.constant 16 : i32
        %eq3A_427 = arith.constant 0 : i32
        %eq3A_428 = arith.cmpi eq, %jit3A_426, %eq3A_427 : i32
        %jit3A_429 = arith.constant 1 : i32
        %select_n3A_430 = arith.select %eq3A_428, %jit3A_429, %jit3A_426 : i32
        %rem3A_431 = arith.remsi %sub3A_401, %select_n3A_430 : i32
        %ne3A_432 = arith.constant 0 : i32
        %ne3A_433 = arith.cmpi ne, %rem3A_431, %ne3A_432 : i32
        %lt3A_434 = arith.constant 0 : i32
        %lt3A_435 = arith.cmpi slt, %rem3A_431, %lt3A_434 : i32
        %lt3A_436 = arith.constant 0 : i32
        %lt3A_437 = arith.cmpi slt, %select_n3A_430, %lt3A_436 : i32
        %ne3A_438 = arith.xori %lt3A_435, %lt3A_437 : i1
        %and3A_439 = arith.andi %ne3A_438, %ne3A_433 : i1
        %add3A_440 = arith.addi %rem3A_431, %select_n3A_430 : i32
        %select_n3A_441 = arith.select %and3A_439, %add3A_440, %rem3A_431 : i32
        %mul3A_442 = arith.constant 14 : i32
        %mul3A_443 = arith.muli %select_n3A_441, %mul3A_442 : i32
        %dma_start3A_444 = arith.constant 2 : i32
        %dma_start3A_445 = tpu.memref_slice %arg6[%dma_start3A_444] : memref<4x!tpu.dma_semaphore, #tpu.memory_space<semaphore_mem>> -> memref<1x!tpu.dma_semaphore, #tpu.memory_space<semaphore_mem>>
        %dma_start3A_446 = tpu.memref_squeeze %dma_start3A_445 : memref<1x!tpu.dma_semaphore, #tpu.memory_space<semaphore_mem>> -> memref<!tpu.dma_semaphore, #tpu.memory_space<semaphore_mem>>
        %dma_start3A_447 = arith.constant 0 : i32
        %dma_start3A_448 = arith.constant 0 : i32
        %dma_start3A_449 = tpu.memref_slice %arg0[%select_n3A_425, %mul3A_443, %dma_start3A_447, %dma_start3A_448] : memref<4x224x224x384xf32, #tpu.memory_space<any>> -> memref<1x14x224x384xf32, #tpu.memory_space<any>>
        %dma_start3A_450 = tpu.memref_squeeze %dma_start3A_449 : memref<1x14x224x384xf32, #tpu.memory_space<any>> -> memref<14x224x384xf32, #tpu.memory_space<any>>
        tpu.enqueue_dma source(%dma_start3A_450 : memref<14x224x384xf32, #tpu.memory_space<any>>) target(%arg4 : memref<14x224x384xf32, #tpu.memory_space<vmem>>) target_semaphore(%dma_start3A_446 : memref<!tpu.dma_semaphore, #tpu.memory_space<semaphore_mem>>)
      } else {
      }
      %get3A_324 = arith.constant 0 : index
      %get3A_325 = arith.constant 0 : index
      %get3A_326 = arith.constant 0 : index
      %get3A_327 = vector.load %arg5[%get3A_324, %get3A_325, %get3A_326] : memref<14x224x384xf32, #tpu.memory_space<vmem>>, vector<14x224x384xf32>
      %reduce_sum3A_328 = arith.constant dense<0.000000e+00> : vector<224x384xf32>
      %reduce_sum3A_329 = vector.multi_reduction <add>, %get3A_327, %reduce_sum3A_328 [0] : vector<14x224x384xf32> to vector<224x384xf32>
      %reduce_sum3A_330 = arith.constant dense<0.000000e+00> : vector<384xf32>
      %reduce_sum3A_331 = vector.multi_reduction <add>, %reduce_sum3A_329, %reduce_sum3A_330 [0] : vector<224x384xf32> to vector<384xf32>
      %jit3A_332 = arith.constant 16 : i32
      %div3A_333 = arith.divsi %add3A_305, %jit3A_332 : i32
      %sign3A_334 = arith.constant 0 : i32
      %sign3A_335 = arith.cmpi sgt, %add3A_305, %sign3A_334 : i32
      %sign3A_336 = arith.extui %sign3A_335 : i1 to i32
      %sign3A_337 = arith.constant 0 : i32
      %sign3A_338 = arith.cmpi slt, %add3A_305, %sign3A_337 : i32
      %sign3A_339 = arith.extui %sign3A_338 : i1 to i32
      %sign3A_340 = arith.subi %sign3A_336, %sign3A_339 : i32
      %sign3A_341 = arith.constant 0 : i32
      %sign3A_342 = arith.cmpi sgt, %jit3A_332, %sign3A_341 : i32
      %sign3A_343 = arith.extui %sign3A_342 : i1 to i32
      %sign3A_344 = arith.constant 0 : i32
      %sign3A_345 = arith.cmpi slt, %jit3A_332, %sign3A_344 : i32
      %sign3A_346 = arith.extui %sign3A_345 : i1 to i32
      %sign3A_347 = arith.subi %sign3A_343, %sign3A_346 : i32
      %ne3A_348 = arith.cmpi ne, %sign3A_340, %sign3A_347 : i32
      %rem3A_349 = arith.remsi %add3A_305, %jit3A_332 : i32
      %ne3A_350 = arith.constant 0 : i32
      %ne3A_351 = arith.cmpi ne, %rem3A_349, %ne3A_350 : i32
      %and3A_352 = arith.andi %ne3A_348, %ne3A_351 : i1
      %sub3A_353 = arith.constant 1 : i32
      %sub3A_354 = arith.subi %div3A_333, %sub3A_353 : i32
      %select_n3A_355 = arith.select %and3A_352, %sub3A_354, %div3A_333 : i32
      %jit3A_356 = arith.constant 16 : i32
      %eq3A_357 = arith.constant 0 : i32
      %eq3A_358 = arith.cmpi eq, %jit3A_356, %eq3A_357 : i32
      %jit3A_359 = arith.constant 1 : i32
      %select_n3A_360 = arith.select %eq3A_358, %jit3A_359, %jit3A_356 : i32
      %rem3A_361 = arith.remsi %add3A_305, %select_n3A_360 : i32
      %ne3A_362 = arith.constant 0 : i32
      %ne3A_363 = arith.cmpi ne, %rem3A_361, %ne3A_362 : i32
      %lt3A_364 = arith.constant 0 : i32
      %lt3A_365 = arith.cmpi slt, %rem3A_361, %lt3A_364 : i32
      %lt3A_366 = arith.constant 0 : i32
      %lt3A_367 = arith.cmpi slt, %select_n3A_360, %lt3A_366 : i32
      %ne3A_368 = arith.xori %lt3A_365, %lt3A_367 : i1
      %and3A_369 = arith.andi %ne3A_368, %ne3A_363 : i1
      %add3A_370 = arith.addi %rem3A_361, %select_n3A_360 : i32
      %select_n3A_371 = arith.select %and3A_369, %add3A_370, %rem3A_361 : i32
      %eq3A_372 = arith.constant 0 : i32
      %eq3A_373 = arith.cmpi eq, %select_n3A_371, %eq3A_372 : i32
      %convert_element_type3A_374 = arith.extui %eq3A_373 : i1 to i32
      %cond3A_375 = arith.constant 0 : i32
      %cond3A_376 = arith.cmpi ne, %convert_element_type3A_374, %cond3A_375 : i32
      scf.if %cond3A_376 {
        %swap3A = arith.index_cast %select_n3A_355 : i32 to index
        %swap3A_398 = arith.constant 0 : index
        %swap3A_399 = vector.load %arg1[%swap3A, %swap3A_398] : memref<3x384xf32, #tpu.memory_space<vmem>>, vector<1x384xf32>
        %swap3A_400 = vector.shape_cast %swap3A_399 : vector<1x384xf32> to vector<384xf32>
        %swap3A_401 = vector.shape_cast %reduce_sum3A_331 : vector<384xf32> to vector<1x384xf32>
        tpu.vector_store %arg1[%swap3A, %swap3A_398], %swap3A_401 {strides = array<i32>} : memref<3x384xf32, #tpu.memory_space<vmem>>, vector<1x384xf32>,
      } else {
      }
      %jit3A_377 = arith.constant 16 : i32
      %eq3A_378 = arith.constant 0 : i32
      %eq3A_379 = arith.cmpi eq, %jit3A_377, %eq3A_378 : i32
      %jit3A_380 = arith.constant 1 : i32
      %select_n3A_381 = arith.select %eq3A_379, %jit3A_380, %jit3A_377 : i32
      %rem3A_382 = arith.remsi %add3A_305, %select_n3A_381 : i32
      %ne3A_383 = arith.constant 0 : i32
      %ne3A_384 = arith.cmpi ne, %rem3A_382, %ne3A_383 : i32
      %lt3A_385 = arith.constant 0 : i32
      %lt3A_386 = arith.cmpi slt, %rem3A_382, %lt3A_385 : i32
      %lt3A_387 = arith.constant 0 : i32
      %lt3A_388 = arith.cmpi slt, %select_n3A_381, %lt3A_387 : i32
      %ne3A_389 = arith.xori %lt3A_386, %lt3A_388 : i1
      %and3A_390 = arith.andi %ne3A_389, %ne3A_384 : i1
      %add3A_391 = arith.addi %rem3A_382, %select_n3A_381 : i32
      %select_n3A_392 = arith.select %and3A_390, %add3A_391, %rem3A_382 : i32
      %ne3A_393 = arith.constant 0 : i32
      %ne3A_394 = arith.cmpi ne, %select_n3A_392, %ne3A_393 : i32
      %convert_element_type3A_395 = arith.extui %ne3A_394 : i1 to i32
      %cond3A_396 = arith.constant 0 : i32
      %cond3A_397 = arith.cmpi ne, %convert_element_type3A_395, %cond3A_396 : i32
      scf.if %cond3A_397 {
        %get3A_398 = arith.index_cast %select_n3A_355 : i32 to index
        %get3A_399 = arith.constant 0 : index
        %get3A_400 = vector.load %arg1[%get3A_398, %get3A_399] : memref<3x384xf32, #tpu.memory_space<vmem>>, vector<1x384xf32>
        %get3A_401 = vector.shape_cast %get3A_400 : vector<1x384xf32> to vector<384xf32>
        %add3A_402 = arith.addf %get3A_401, %reduce_sum3A_331 : vector<384xf32>
        %swap3A = arith.index_cast %select_n3A_355 : i32 to index
        %swap3A_403 = arith.constant 0 : index
        %swap3A_404 = vector.load %arg1[%swap3A, %swap3A_403] : memref<3x384xf32, #tpu.memory_space<vmem>>, vector<1x384xf32>
        %swap3A_405 = vector.shape_cast %swap3A_404 : vector<1x384xf32> to vector<384xf32>
        %swap3A_406 = vector.shape_cast %add3A_402 : vector<384xf32> to vector<1x384xf32>
        tpu.vector_store %arg1[%swap3A, %swap3A_403], %swap3A_406 {strides = array<i32>} : memref<3x384xf32, #tpu.memory_space<vmem>>, vector<1x384xf32>,
      } else {
      }
    }
    %scan3A_29 = arith.constant 12 : i32
    return
  }
}

module attributes {stable_mosaic.version = 14 : i64} {
  func.func @_route_body(%arg0: memref<3x384xf32, #tpu.memory_space<vmem>>, %arg1: memref<32x384xf32, #tpu.memory_space<vmem>>, %arg2: memref<48x384xf32, #tpu.memory_space<vmem>>, %arg3: memref<1x48xf32, #tpu.memory_space<vmem>>, %arg4: memref<64x48xf32, #tpu.memory_space<vmem>>, %arg5: memref<1x64xf32, #tpu.memory_space<vmem>>, %arg6: memref<4x8xf32, #tpu.memory_space<vmem>>, %arg7: memref<4x8xi32, #tpu.memory_space<vmem>>) attributes {dimension_semantics = [], scalar_prefetch = 0 : i64, scratch_operands = 0 : i64, tpu.core_type = #tpu.core_type<tc>} {
    %get3A = arith.constant 0 : index
    %get3A_0 = arith.constant 0 : index
    %get3A_1 = vector.load %arg1[%get3A, %get3A_0] : memref<32x384xf32, #tpu.memory_space<vmem>>, vector<32x384xf32>
    %reduce_sum3A = arith.constant dense<0.000000e+00> : vector<384xf32>
    %reduce_sum3A_2 = vector.multi_reduction <add>, %get3A_1, %reduce_sum3A [0] : vector<32x384xf32> to vector<384xf32>
    %broadcast_in_dim3A = vector.shape_cast %reduce_sum3A_2 : vector<384xf32> to vector<1x384xf32>
    %get3A_3 = arith.constant 0 : index
    %get3A_4 = arith.constant 0 : index
    %get3A_5 = vector.load %arg0[%get3A_3, %get3A_4] : memref<3x384xf32, #tpu.memory_space<vmem>>, vector<3x384xf32>
    %concatenate3A = tpu.concatenate %get3A_5, %broadcast_in_dim3A in 0 : vector<3x384xf32>, vector<1x384xf32> -> vector<4x384xf32>
    %get3A_6 = arith.constant 0 : index
    %get3A_7 = arith.constant 0 : index
    %get3A_8 = vector.load %arg2[%get3A_6, %get3A_7] : memref<48x384xf32, #tpu.memory_space<vmem>>, vector<48x384xf32>
    %dot_general3A = arith.constant dense<0.000000e+00> : vector<4x48xf32>
    %dot_general3A_9 = tpu.matmul %concatenate3A, %get3A_8, %dot_general3A {dimension_numbers = #tpu.dot_dimension_numbers<[1], [1], [0], [0], [0, 0, 1, 0], [], []>, transpose_lhs_hint = false} : vector<4x384xf32>, vector<48x384xf32>, vector<4x48xf32> -> vector<4x48xf32>
    %get3A_10 = arith.constant 0 : index
    %get3A_11 = arith.constant 0 : index
    %get3A_12 = vector.load %arg3[%get3A_10, %get3A_11] : memref<1x48xf32, #tpu.memory_space<vmem>>, vector<1x48xf32>
    %add3A = vector.broadcast %get3A_12 : vector<1x48xf32> to vector<4x48xf32>
    %add3A_13 = arith.addf %dot_general3A_9, %add3A : vector<4x48xf32>
    %logistic3A = arith.negf %add3A_13 : vector<4x48xf32>
    %logistic3A_14 = math.exp %logistic3A : vector<4x48xf32>
    %logistic3A_15 = arith.constant 1.000000e+00 : f32
    %logistic3A_16 = vector.broadcast %logistic3A_15 : f32 to vector<4x48xf32>
    %logistic3A_17 = arith.addf %logistic3A_16, %logistic3A_14 : vector<4x48xf32>
    %logistic3A_18 = arith.divf %logistic3A_16, %logistic3A_17 : vector<4x48xf32>
    %mul3A = arith.mulf %add3A_13, %logistic3A_18 : vector<4x48xf32>
    %get3A_19 = arith.constant 0 : index
    %get3A_20 = arith.constant 0 : index
    %get3A_21 = vector.load %arg4[%get3A_19, %get3A_20] : memref<64x48xf32, #tpu.memory_space<vmem>>, vector<64x48xf32>
    %dot_general3A_22 = arith.constant dense<0.000000e+00> : vector<4x64xf32>
    %dot_general3A_23 = tpu.matmul %mul3A, %get3A_21, %dot_general3A_22 {dimension_numbers = #tpu.dot_dimension_numbers<[1], [1], [0], [0], [0, 0, 1, 0], [], []>, transpose_lhs_hint = false} : vector<4x48xf32>, vector<64x48xf32>, vector<4x64xf32> -> vector<4x64xf32>
    %get3A_24 = arith.constant 0 : index
    %get3A_25 = arith.constant 0 : index
    %get3A_26 = vector.load %arg5[%get3A_24, %get3A_25] : memref<1x64xf32, #tpu.memory_space<vmem>>, vector<1x64xf32>
    %add3A_27 = vector.broadcast %get3A_26 : vector<1x64xf32> to vector<4x64xf32>
    %add3A_28 = arith.addf %dot_general3A_23, %add3A_27 : vector<4x64xf32>
    %reduce_max3A = arith.constant dense<0xFF800000> : vector<4xf32>
    %reduce_max3A_29 = vector.multi_reduction <maximumf>, %add3A_28, %reduce_max3A [1] : vector<4x64xf32> to vector<4xf32>
    %broadcast_in_dim3A_30 = vector.shape_cast %reduce_max3A_29 : vector<4xf32> to vector<4x1xf32>
    %sub3A = vector.broadcast %broadcast_in_dim3A_30 : vector<4x1xf32> to vector<4x64xf32>
    %sub3A_31 = arith.subf %add3A_28, %sub3A : vector<4x64xf32>
    %exp3A = math.exp %sub3A_31 : vector<4x64xf32>
    %reduce_sum3A_32 = arith.constant dense<0.000000e+00> : vector<4xf32>
    %reduce_sum3A_33 = vector.multi_reduction <add>, %exp3A, %reduce_sum3A_32 [1] : vector<4x64xf32> to vector<4xf32>
    %broadcast_in_dim3A_34 = vector.shape_cast %reduce_sum3A_33 : vector<4xf32> to vector<4x1xf32>
    %div3A = vector.broadcast %broadcast_in_dim3A_34 : vector<4x1xf32> to vector<4x64xf32>
    %div3A_35 = arith.divf %exp3A, %div3A : vector<4x64xf32>
    %broadcast_in_dim3A_36 = vector.shape_cast %div3A_35 : vector<4x64xf32> to vector<4x64x1xf32>
    %broadcast_in_dim3A_37 = vector.shape_cast %div3A_35 : vector<4x64xf32> to vector<4x1x64xf32>
    %iota3A = tpu.iota {dimensions = array<i32: 1>} : vector<4x64x64xi32>
    %iota3A_38 = tpu.iota {dimensions = array<i32: 2>} : vector<4x64x64xi32>
    %gt3A = vector.broadcast %broadcast_in_dim3A_36 : vector<4x64x1xf32> to vector<4x64x64xf32>
    %gt3A_39 = vector.broadcast %broadcast_in_dim3A_37 : vector<4x1x64xf32> to vector<4x64x64xf32>
    %gt3A_40 = arith.cmpf ogt, %gt3A, %gt3A_39 : vector<4x64x64xf32>
    %eq3A = vector.broadcast %broadcast_in_dim3A_36 : vector<4x64x1xf32> to vector<4x64x64xf32>
    %eq3A_41 = vector.broadcast %broadcast_in_dim3A_37 : vector<4x1x64xf32> to vector<4x64x64xf32>
    %eq3A_42 = arith.cmpf oeq, %eq3A, %eq3A_41 : vector<4x64x64xf32>
    %lt3A = arith.cmpi slt, %iota3A, %iota3A_38 : vector<4x64x64xi32>
    %and3A = arith.andi %eq3A_42, %lt3A : vector<4x64x64xi1>
    %or3A = arith.ori %gt3A_40, %and3A : vector<4x64x64xi1>
    %convert_element_type3A = arith.extui %or3A : vector<4x64x64xi1> to vector<4x64x64xi32>
    %reduce_sum3A_43 = arith.constant dense<0> : vector<4x64xi32>
    %reduce_sum3A_44 = vector.multi_reduction <add>, %convert_element_type3A, %reduce_sum3A_43 [1] : vector<4x64x64xi32> to vector<4x64xi32>
    %iota3A_45 = tpu.iota {dimensions = array<i32: 1>} : vector<4x64xi32>
    %eq3A_46 = arith.constant 0 : i32
    %eq3A_47 = vector.broadcast %eq3A_46 : i32 to vector<4x64xi32>
    %eq3A_48 = arith.cmpi eq, %reduce_sum3A_44, %eq3A_47 : vector<4x64xi32>
    %jit3A = arith.constant 0.000000e+00 : f32
    %broadcast_in_dim3A_49 = vector.broadcast %jit3A : f32 to vector<4x64xf32>
    %select_n3A = arith.select %eq3A_48, %div3A_35, %broadcast_in_dim3A_49 : vector<4x64xi1>, vector<4x64xf32>
    %reduce_sum3A_50 = arith.constant dense<0.000000e+00> : vector<4xf32>
    %reduce_sum3A_51 = vector.multi_reduction <add>, %select_n3A, %reduce_sum3A_50 [1] : vector<4x64xf32> to vector<4xf32>
    %broadcast_in_dim3A_52 = vector.shape_cast %reduce_sum3A_51 : vector<4xf32> to vector<4x1xf32>
    %jit3A_53 = arith.constant 0 : i32
    %broadcast_in_dim3A_54 = vector.broadcast %jit3A_53 : i32 to vector<4x64xi32>
    %select_n3A_55 = arith.select %eq3A_48, %iota3A_45, %broadcast_in_dim3A_54 : vector<4x64xi1>, vector<4x64xi32>
    %reduce_sum3A_56 = arith.constant dense<0> : vector<4xi32>
    %reduce_sum3A_57 = vector.multi_reduction <add>, %select_n3A_55, %reduce_sum3A_56 [1] : vector<4x64xi32> to vector<4xi32>
    %broadcast_in_dim3A_58 = vector.shape_cast %reduce_sum3A_57 : vector<4xi32> to vector<4x1xi32>
    %eq3A_59 = arith.constant 1 : i32
    %eq3A_60 = vector.broadcast %eq3A_59 : i32 to vector<4x64xi32>
    %eq3A_61 = arith.cmpi eq, %reduce_sum3A_44, %eq3A_60 : vector<4x64xi32>
    %jit3A_62 = arith.constant 0.000000e+00 : f32
    %broadcast_in_dim3A_63 = vector.broadcast %jit3A_62 : f32 to vector<4x64xf32>
    %select_n3A_64 = arith.select %eq3A_61, %div3A_35, %broadcast_in_dim3A_63 : vector<4x64xi1>, vector<4x64xf32>
    %reduce_sum3A_65 = arith.constant dense<0.000000e+00> : vector<4xf32>
    %reduce_sum3A_66 = vector.multi_reduction <add>, %select_n3A_64, %reduce_sum3A_65 [1] : vector<4x64xf32> to vector<4xf32>
    %broadcast_in_dim3A_67 = vector.shape_cast %reduce_sum3A_66 : vector<4xf32> to vector<4x1xf32>
    %jit3A_68 = arith.constant 0 : i32
    %broadcast_in_dim3A_69 = vector.broadcast %jit3A_68 : i32 to vector<4x64xi32>
    %select_n3A_70 = arith.select %eq3A_61, %iota3A_45, %broadcast_in_dim3A_69 : vector<4x64xi1>, vector<4x64xi32>
    %reduce_sum3A_71 = arith.constant dense<0> : vector<4xi32>
    %reduce_sum3A_72 = vector.multi_reduction <add>, %select_n3A_70, %reduce_sum3A_71 [1] : vector<4x64xi32> to vector<4xi32>
    %broadcast_in_dim3A_73 = vector.shape_cast %reduce_sum3A_72 : vector<4xi32> to vector<4x1xi32>
    %eq3A_74 = arith.constant 2 : i32
    %eq3A_75 = vector.broadcast %eq3A_74 : i32 to vector<4x64xi32>
    %eq3A_76 = arith.cmpi eq, %reduce_sum3A_44, %eq3A_75 : vector<4x64xi32>
    %jit3A_77 = arith.constant 0.000000e+00 : f32
    %broadcast_in_dim3A_78 = vector.broadcast %jit3A_77 : f32 to vector<4x64xf32>
    %select_n3A_79 = arith.select %eq3A_76, %div3A_35, %broadcast_in_dim3A_78 : vector<4x64xi1>, vector<4x64xf32>
    %reduce_sum3A_80 = arith.constant dense<0.000000e+00> : vector<4xf32>
    %reduce_sum3A_81 = vector.multi_reduction <add>, %select_n3A_79, %reduce_sum3A_80 [1] : vector<4x64xf32> to vector<4xf32>
    %broadcast_in_dim3A_82 = vector.shape_cast %reduce_sum3A_81 : vector<4xf32> to vector<4x1xf32>
    %jit3A_83 = arith.constant 0 : i32
    %broadcast_in_dim3A_84 = vector.broadcast %jit3A_83 : i32 to vector<4x64xi32>
    %select_n3A_85 = arith.select %eq3A_76, %iota3A_45, %broadcast_in_dim3A_84 : vector<4x64xi1>, vector<4x64xi32>
    %reduce_sum3A_86 = arith.constant dense<0> : vector<4xi32>
    %reduce_sum3A_87 = vector.multi_reduction <add>, %select_n3A_85, %reduce_sum3A_86 [1] : vector<4x64xi32> to vector<4xi32>
    %broadcast_in_dim3A_88 = vector.shape_cast %reduce_sum3A_87 : vector<4xi32> to vector<4x1xi32>
    %eq3A_89 = arith.constant 3 : i32
    %eq3A_90 = vector.broadcast %eq3A_89 : i32 to vector<4x64xi32>
    %eq3A_91 = arith.cmpi eq, %reduce_sum3A_44, %eq3A_90 : vector<4x64xi32>
    %jit3A_92 = arith.constant 0.000000e+00 : f32
    %broadcast_in_dim3A_93 = vector.broadcast %jit3A_92 : f32 to vector<4x64xf32>
    %select_n3A_94 = arith.select %eq3A_91, %div3A_35, %broadcast_in_dim3A_93 : vector<4x64xi1>, vector<4x64xf32>
    %reduce_sum3A_95 = arith.constant dense<0.000000e+00> : vector<4xf32>
    %reduce_sum3A_96 = vector.multi_reduction <add>, %select_n3A_94, %reduce_sum3A_95 [1] : vector<4x64xf32> to vector<4xf32>
    %broadcast_in_dim3A_97 = vector.shape_cast %reduce_sum3A_96 : vector<4xf32> to vector<4x1xf32>
    %jit3A_98 = arith.constant 0 : i32
    %broadcast_in_dim3A_99 = vector.broadcast %jit3A_98 : i32 to vector<4x64xi32>
    %select_n3A_100 = arith.select %eq3A_91, %iota3A_45, %broadcast_in_dim3A_99 : vector<4x64xi1>, vector<4x64xi32>
    %reduce_sum3A_101 = arith.constant dense<0> : vector<4xi32>
    %reduce_sum3A_102 = vector.multi_reduction <add>, %select_n3A_100, %reduce_sum3A_101 [1] : vector<4x64xi32> to vector<4xi32>
    %broadcast_in_dim3A_103 = vector.shape_cast %reduce_sum3A_102 : vector<4xi32> to vector<4x1xi32>
    %eq3A_104 = arith.constant 4 : i32
    %eq3A_105 = vector.broadcast %eq3A_104 : i32 to vector<4x64xi32>
    %eq3A_106 = arith.cmpi eq, %reduce_sum3A_44, %eq3A_105 : vector<4x64xi32>
    %jit3A_107 = arith.constant 0.000000e+00 : f32
    %broadcast_in_dim3A_108 = vector.broadcast %jit3A_107 : f32 to vector<4x64xf32>
    %select_n3A_109 = arith.select %eq3A_106, %div3A_35, %broadcast_in_dim3A_108 : vector<4x64xi1>, vector<4x64xf32>
    %reduce_sum3A_110 = arith.constant dense<0.000000e+00> : vector<4xf32>
    %reduce_sum3A_111 = vector.multi_reduction <add>, %select_n3A_109, %reduce_sum3A_110 [1] : vector<4x64xf32> to vector<4xf32>
    %broadcast_in_dim3A_112 = vector.shape_cast %reduce_sum3A_111 : vector<4xf32> to vector<4x1xf32>
    %jit3A_113 = arith.constant 0 : i32
    %broadcast_in_dim3A_114 = vector.broadcast %jit3A_113 : i32 to vector<4x64xi32>
    %select_n3A_115 = arith.select %eq3A_106, %iota3A_45, %broadcast_in_dim3A_114 : vector<4x64xi1>, vector<4x64xi32>
    %reduce_sum3A_116 = arith.constant dense<0> : vector<4xi32>
    %reduce_sum3A_117 = vector.multi_reduction <add>, %select_n3A_115, %reduce_sum3A_116 [1] : vector<4x64xi32> to vector<4xi32>
    %broadcast_in_dim3A_118 = vector.shape_cast %reduce_sum3A_117 : vector<4xi32> to vector<4x1xi32>
    %eq3A_119 = arith.constant 5 : i32
    %eq3A_120 = vector.broadcast %eq3A_119 : i32 to vector<4x64xi32>
    %eq3A_121 = arith.cmpi eq, %reduce_sum3A_44, %eq3A_120 : vector<4x64xi32>
    %jit3A_122 = arith.constant 0.000000e+00 : f32
    %broadcast_in_dim3A_123 = vector.broadcast %jit3A_122 : f32 to vector<4x64xf32>
    %select_n3A_124 = arith.select %eq3A_121, %div3A_35, %broadcast_in_dim3A_123 : vector<4x64xi1>, vector<4x64xf32>
    %reduce_sum3A_125 = arith.constant dense<0.000000e+00> : vector<4xf32>
    %reduce_sum3A_126 = vector.multi_reduction <add>, %select_n3A_124, %reduce_sum3A_125 [1] : vector<4x64xf32> to vector<4xf32>
    %broadcast_in_dim3A_127 = vector.shape_cast %reduce_sum3A_126 : vector<4xf32> to vector<4x1xf32>
    %jit3A_128 = arith.constant 0 : i32
    %broadcast_in_dim3A_129 = vector.broadcast %jit3A_128 : i32 to vector<4x64xi32>
    %select_n3A_130 = arith.select %eq3A_121, %iota3A_45, %broadcast_in_dim3A_129 : vector<4x64xi1>, vector<4x64xi32>
    %reduce_sum3A_131 = arith.constant dense<0> : vector<4xi32>
    %reduce_sum3A_132 = vector.multi_reduction <add>, %select_n3A_130, %reduce_sum3A_131 [1] : vector<4x64xi32> to vector<4xi32>
    %broadcast_in_dim3A_133 = vector.shape_cast %reduce_sum3A_132 : vector<4xi32> to vector<4x1xi32>
    %eq3A_134 = arith.constant 6 : i32
    %eq3A_135 = vector.broadcast %eq3A_134 : i32 to vector<4x64xi32>
    %eq3A_136 = arith.cmpi eq, %reduce_sum3A_44, %eq3A_135 : vector<4x64xi32>
    %jit3A_137 = arith.constant 0.000000e+00 : f32
    %broadcast_in_dim3A_138 = vector.broadcast %jit3A_137 : f32 to vector<4x64xf32>
    %select_n3A_139 = arith.select %eq3A_136, %div3A_35, %broadcast_in_dim3A_138 : vector<4x64xi1>, vector<4x64xf32>
    %reduce_sum3A_140 = arith.constant dense<0.000000e+00> : vector<4xf32>
    %reduce_sum3A_141 = vector.multi_reduction <add>, %select_n3A_139, %reduce_sum3A_140 [1] : vector<4x64xf32> to vector<4xf32>
    %broadcast_in_dim3A_142 = vector.shape_cast %reduce_sum3A_141 : vector<4xf32> to vector<4x1xf32>
    %jit3A_143 = arith.constant 0 : i32
    %broadcast_in_dim3A_144 = vector.broadcast %jit3A_143 : i32 to vector<4x64xi32>
    %select_n3A_145 = arith.select %eq3A_136, %iota3A_45, %broadcast_in_dim3A_144 : vector<4x64xi1>, vector<4x64xi32>
    %reduce_sum3A_146 = arith.constant dense<0> : vector<4xi32>
    %reduce_sum3A_147 = vector.multi_reduction <add>, %select_n3A_145, %reduce_sum3A_146 [1] : vector<4x64xi32> to vector<4xi32>
    %broadcast_in_dim3A_148 = vector.shape_cast %reduce_sum3A_147 : vector<4xi32> to vector<4x1xi32>
    %eq3A_149 = arith.constant 7 : i32
    %eq3A_150 = vector.broadcast %eq3A_149 : i32 to vector<4x64xi32>
    %eq3A_151 = arith.cmpi eq, %reduce_sum3A_44, %eq3A_150 : vector<4x64xi32>
    %jit3A_152 = arith.constant 0.000000e+00 : f32
    %broadcast_in_dim3A_153 = vector.broadcast %jit3A_152 : f32 to vector<4x64xf32>
    %select_n3A_154 = arith.select %eq3A_151, %div3A_35, %broadcast_in_dim3A_153 : vector<4x64xi1>, vector<4x64xf32>
    %reduce_sum3A_155 = arith.constant dense<0.000000e+00> : vector<4xf32>
    %reduce_sum3A_156 = vector.multi_reduction <add>, %select_n3A_154, %reduce_sum3A_155 [1] : vector<4x64xf32> to vector<4xf32>
    %broadcast_in_dim3A_157 = vector.shape_cast %reduce_sum3A_156 : vector<4xf32> to vector<4x1xf32>
    %jit3A_158 = arith.constant 0 : i32
    %broadcast_in_dim3A_159 = vector.broadcast %jit3A_158 : i32 to vector<4x64xi32>
    %select_n3A_160 = arith.select %eq3A_151, %iota3A_45, %broadcast_in_dim3A_159 : vector<4x64xi1>, vector<4x64xi32>
    %reduce_sum3A_161 = arith.constant dense<0> : vector<4xi32>
    %reduce_sum3A_162 = vector.multi_reduction <add>, %select_n3A_160, %reduce_sum3A_161 [1] : vector<4x64xi32> to vector<4xi32>
    %broadcast_in_dim3A_163 = vector.shape_cast %reduce_sum3A_162 : vector<4xi32> to vector<4x1xi32>
    %concatenate3A_164 = tpu.concatenate %broadcast_in_dim3A_52, %broadcast_in_dim3A_67, %broadcast_in_dim3A_82, %broadcast_in_dim3A_97, %broadcast_in_dim3A_112, %broadcast_in_dim3A_127, %broadcast_in_dim3A_142, %broadcast_in_dim3A_157 in 1 : vector<4x1xf32>, vector<4x1xf32>, vector<4x1xf32>, vector<4x1xf32>, vector<4x1xf32>, vector<4x1xf32>, vector<4x1xf32>, vector<4x1xf32> -> vector<4x8xf32>
    %concatenate3A_165 = tpu.concatenate %broadcast_in_dim3A_58, %broadcast_in_dim3A_73, %broadcast_in_dim3A_88, %broadcast_in_dim3A_103, %broadcast_in_dim3A_118, %broadcast_in_dim3A_133, %broadcast_in_dim3A_148, %broadcast_in_dim3A_163 in 1 : vector<4x1xi32>, vector<4x1xi32>, vector<4x1xi32>, vector<4x1xi32>, vector<4x1xi32>, vector<4x1xi32>, vector<4x1xi32>, vector<4x1xi32> -> vector<4x8xi32>
    %reduce_sum3A_166 = arith.constant dense<0.000000e+00> : vector<4xf32>
    %reduce_sum3A_167 = vector.multi_reduction <add>, %concatenate3A_164, %reduce_sum3A_166 [1] : vector<4x8xf32> to vector<4xf32>
    %broadcast_in_dim3A_168 = vector.shape_cast %reduce_sum3A_167 : vector<4xf32> to vector<4x1xf32>
    %add3A_169 = arith.constant 9.99999997E-7 : f32
    %add3A_170 = vector.broadcast %add3A_169 : f32 to vector<4x1xf32>
    %add3A_171 = arith.addf %broadcast_in_dim3A_168, %add3A_170 : vector<4x1xf32>
    %div3A_172 = vector.broadcast %add3A_171 : vector<4x1xf32> to vector<4x8xf32>
    %div3A_173 = arith.divf %concatenate3A_164, %div3A_172 : vector<4x8xf32>
    %swap3A = arith.constant 0 : index
    %swap3A_174 = arith.constant 0 : index
    %swap3A_175 = vector.load %arg6[%swap3A, %swap3A_174] : memref<4x8xf32, #tpu.memory_space<vmem>>, vector<4x8xf32>
    tpu.vector_store %arg6[%swap3A, %swap3A_174], %div3A_173 {strides = array<i32>} : memref<4x8xf32, #tpu.memory_space<vmem>>, vector<4x8xf32>,
    %swap3A_176 = arith.constant 0 : index
    %swap3A_177 = arith.constant 0 : index
    %swap3A_178 = vector.load %arg7[%swap3A_176, %swap3A_177] : memref<4x8xi32, #tpu.memory_space<vmem>>, vector<4x8xi32>
    tpu.vector_store %arg7[%swap3A_176, %swap3A_177], %concatenate3A_165 {strides = array<i32>} : memref<4x8xi32, #tpu.memory_space<vmem>>, vector<4x8xi32>,
    return
  }
}

</mosaic_0001>

<sc_bundles>
// kernel: kernel.5.cloned.1.call-start
scs
__scs_entry_jumppad:
0x0: {  	(pc) =	sbr.rel $0x88, $3  }
0x1: {  	(tag) =	ssettag $0x0;
	lr =	simm.s32 $0x1  }
0x2: {  	[smem:$0x3F96] =	sst lr;
	_ =	strace $0xD0000000  }
0x3: {  	_ = 	snop  }
0x4: {  	_ = 	snop  }
0x5: {  	_ = 	snop  }
0x6: {  	_ = 	snop  }
0x7: {  	_ = 	snop  }
__scs_overlays_trampoline_lowered:
0x8: {  	[smem:$0x3FA5] =	sst s0  }
0x9: {  	[smem:$0x3FA6] =	sst s1  }
0xa: {  	[smem:$0x3FA7] =	sst s2  }
0xb: {  	[smem:$0x3FA8] =	sst s3  }
0xc: {  	[smem:$0x3FA9] =	sst s4  }
0xd: {  	[smem:$0x3FAA] =	sst s5  }
0xe: {  	[smem:$0x3FAB] =	sst s6  }
0xf: {  	[smem:$0x3FAC] =	sst s7  }
0x10: {  	[smem:$0x3FAD] =	sst s8  }
0x11: {  	[smem:$0x3FAE] =	sst s9;
	s0 =	simm.s32 @!p0 $0x0  }
0x12: {  	s1 =	sld [smem:$0x3F94];
	s0 =	simm.s32 @p0 $0x1  }
0x13: {  	[smem:$0x3FAF] =	sst s0;
	s0 =	simm.s32 @!p1 $0x0  }
0x14: {  	s2 =	sld [smem:$0x3F93];
	s0 =	simm.s32 @p1 $0x1  }
0x15: {  	[smem:$0x3FB0] =	sst s0;
	s0 =	simm.s32 @!p2 $0x0  }
0x16: {  	s3 =	sld [smem:$0x3FDB];
	s0 =	simm.s32 @p2 $0x1  }
0x17: {  	s4 =	simm.s32 $0x1BF5;
	[smem:$0x3FB2] =	sst s0  }
0x18: {  	s0 =	sld [smem:$0x3F95];
	_ =	swait.ge [sflag:s4], $0x0  }
0x19: {  	s7 =	sld [smem:$0x3F96]  }
0x1a: {  	s8 =	sadd.s32 $0xFFFFE003, lr  }
0x1b: {  	s9 =	sadd.s32 $0xFFFFFEF7, lr;
	s5 =	simm.s32 $0xFFFFFFFF;
	p2 =	slt.u32 s8, $0xFFFFF086  }
0x1c: {  	p1 =	slt.u32 s9, $0xF7A;
	s5 =	simm.s32 @!p2 $0x0  }
0x1d: {  	s5 =	simm.s32 @p1 $0x1;
	p0 =	seq.s32 s7, s2  }
0x1e: {  	s7 =	smul.u32 @!p0 $0xF7A, s2;
	p2 =	seq.s32 @!p0 s5, $0x0  }
0x1f: {  	s9 =	smul.u32 $0xF7A, s1;
	s8 =	simm.s32 @!p0 $0x1BF5;
	p2 =	por !p2, p0  }
0x20: {  	[sflag:s8] =	ssyncset.s32 @!p0 $0xFFFFF086;
	s6 =	sadd.s32 @!p0 s3, s7;
	s7 =	simm.s32 @!p0 $0x108  }
0x21: {  	s3 =	sadd.s32 s3, s9;
	s6 =	sadd.s32 @!p0 $0x88, s6;
	s7 =	simm.s32 @p2 $0x1082  }
0x22: {  	[simem:s7], [sflag:s8] =	dma.local @!p0 [hbm:s6], $0xF7A  }
0x23: {  	s9 =	sor.u32 $0xD0000000, s2;
	s6 =	simm.s32 $0x108;
	_ =	swait.ge @!p0 [sflag:s8], $0x0  }
0x24: {  	s3 =	sadd.s32 $0x88, s3;
	s6 =	simm.s32 @!p1 $0x1082;
	[sflag:s4] =	ssyncset.s32 $0xFFFFF086  }
0x25: {  	[simem:s6], [sflag:s4] =	dma.local [hbm:s3], $0xF7A  }
0x26: {  	[smem:$0x3F96] =	sst s1;
	(tag) =	ssettag s2;
	_ =	strace s9  }
0x27: {  	s1 =	sld [smem:$0x3FA6]  }
0x28: {  	s2 =	sld [smem:$0x3FA7]  }
0x29: {  	s4 =	sld [smem:$0x3FA9]  }
0x2a: {  	p0 =	seq.s32 s5, $0x0;
	s5 =	sld [smem:$0x3FAA]  }
0x2b: {  	s6 =	sld [smem:$0x3FAB]  }
0x2c: {  	s7 =	sld [smem:$0x3FAC]  }
0x2d: {  	s3 =	simm.s32 $0x108;
	s8 =	sld [smem:$0x3FAD]  }
0x2e: {  	s3 =	simm.s32 @!p0 $0x1082;
	s9 =	sld [smem:$0x3FAE]  }
0x2f: {  	lr =	sadd.s32 s0, s3;
	s0 =	sld [smem:$0x3FA5]  }
0x30: {  	s3 =	sld [smem:$0x3FA8]  }
0x31: {  	[smem:$0x3FB1] =	sst s10  }
0x32: {  	s10 =	sld [smem:$0x3FAF];
	_ =	sdelay $0x3  }
0x33: {  	p0 =	seq.s32 s10, $0x1;
	s10 =	sld [smem:$0x3FB1];
	_ =	sdelay $0x3  }
0x34: {  	[smem:$0x3FB1] =	sst s10  }
0x35: {  	s10 =	sld [smem:$0x3FB0];
	_ =	sdelay $0x3  }
0x36: {  	p1 =	seq.s32 s10, $0x1;
	s10 =	sld [smem:$0x3FB1];
	_ =	sdelay $0x3  }
0x37: {  	[smem:$0x3FB1] =	sst s10  }
0x38: {  	s10 =	sld [smem:$0x3FB2]  }
0x39: {  	_ = 	snop;
	(pc) =	sbr.ind lr, $3  }
0x3a: {  	_ = 	snop  }
0x3b: {  	_ = 	snop  }
0x3c: {  	p2 =	seq.s32 s10, $0x1;
	s10 =	sld [smem:$0x3FB1]  }
0x3d: {  	_ =	shalt  }
0x3e: {  	_ =	shalt  }
0x3f: {  	_ =	shalt  }
0x40: {  	_ =	shalt  }
0x41: {  	_ =	shalt  }
0x42: {  	_ =	shalt  }
0x43: {  	_ =	shalt  }
0x44: {  	_ =	shalt  }
0x45: {  	_ =	shalt  }
0x46: {  	_ =	shalt  }
0x47: {  	_ =	shalt  }
0x48: {  	_ =	shalt  }
0x49: {  	_ =	shalt  }
0x4a: {  	_ =	shalt  }
0x4b: {  	_ =	shalt  }
0x4c: {  	_ =	shalt  }
0x4d: {  	_ =	shalt  }
0x4e: {  	_ =	shalt  }
0x4f: {  	_ =	shalt  }
0x50: {  	_ =	shalt  }
0x51: {  	_ =	shalt  }
0x52: {  	_ =	shalt  }
0x53: {  	_ =	shalt  }
0x54: {  	_ =	shalt  }
0x55: {  	_ =	shalt  }
0x56: {  	_ =	shalt  }
0x57: {  	_ =	shalt  }
0x58: {  	_ =	shalt  }
0x59: {  	_ =	shalt  }
0x5a: {  	_ =	shalt  }
0x5b: {  	_ =	shalt  }
0x5c: {  	_ =	shalt  }
0x5d: {  	_ =	shalt  }
0x5e: {  	_ =	shalt  }
0x5f: {  	_ =	shalt  }
0x60: {  	_ =	shalt  }
0x61: {  	_ =	shalt  }
0x62: {  	_ =	shalt  }
0x63: {  	_ =	shalt  }
0x64: {  	_ =	shalt  }
0x65: {  	_ =	shalt  }
0x66: {  	_ =	shalt  }
0x67: {  	_ =	shalt  }
0x68: {  	_ =	shalt  }
0x69: {  	_ =	shalt  }
0x6a: {  	_ =	shalt  }
0x6b: {  	_ =	shalt  }
0x6c: {  	_ =	shalt  }
0x6d: {  	_ =	shalt  }
0x6e: {  	_ =	shalt  }
0x6f: {  	_ =	shalt  }
0x70: {  	_ =	shalt  }
0x71: {  	_ =	shalt  }
0x72: {  	_ =	shalt  }
0x73: {  	_ =	shalt  }
0x74: {  	_ =	shalt  }
0x75: {  	_ =	shalt  }
0x76: {  	_ =	shalt  }
0x77: {  	_ =	shalt  }
0x78: {  	_ =	shalt  }
0x79: {  	_ =	shalt  }
0x7a: {  	_ =	shalt  }
0x7b: {  	_ =	shalt  }
0x7c: {  	_ =	shalt  }
0x7d: {  	_ =	shalt  }
0x7e: {  	_ =	shalt  }
0x7f: {  	_ =	shalt  }
0x80: {  	_ =	shalt  }
0x81: {  	_ =	shalt  }
0x82: {  	_ =	shalt  }
0x83: {  	_ =	shalt  }
0x84: {  	_ =	shalt  }
0x85: {  	_ =	shalt  }
0x86: {  	_ =	shalt  }
0x87: {  	_ =	shalt  }
.Lfunc_end0:
.L_simem_size_0:
called_computation_lowered:
.L_overlay_start_0:
0x88: {  	s2 =	sld [smem:$0x3FD9]  }
0x89: {  	s3 =	sld [smem:$0x3FFE];
	_ =	sdelay $0x1  }
0x8a: {  	s1 =	srdreg.scid  }
0x8b: {  	s0 =	sand.u32 $0x1, s1  }
0x8c: {  	s17 =	sshll.u32 s0, $0xA;
	s2 =	sadd.s32 s3, s2  }
0x8d: {  	s2 =	sadd.s32 s2, s17  }
0x8e: {  	[smem:$0x3FBD] =	sst s2  }
0x8f: {  	_ = 	snop  }
0x90: {  	s2 =	sld [smem:$0x3FC9];
	(tm) =	ssettm $0x1  }
0x91: {  	s18 =	sld [smem:$0x3FFB];
	_ =	sdelay $0x3  }
0x92: {  	_ =	strace s18  }
0x93: {  	s3 =	sld [smem:$0x3FFC];
	_ =	sdelay $0x3  }
0x94: {  	_ =	strace s3  }
0x95: {  	s3 =	sld [smem:$0x3FFD];
	_ =	sdelay $0x3  }
0x96: {  	_ =	strace s3  }
0x97: {  	_ =	strace $0x8FFFFFFF  }
0x98: {  	s19 =	sld [smem:$0x3FDB];
	_ =	sdelay $0x1  }
0x99: {  	s4 =	simm.s32 $_scs_section_size  }
0x9a: {  	s5 =	simm.s32 $_size__tile_overlayer_lowered;
	s6 =	simm.s32 $_tile_overlayer_lowered  }
0x9b: {  	s22 =	simm.s32 $0x1BFF;
	s21 =	sshll.u32 s6, $0x1;
	s3 =	sadd.s32 s4, s19  }
0x9c: {  	s7 =	simm.s32 $0x0;
	s20 =	sshll.u32 s5, $0x1;
	s5 =	sadd.s32 s21, s3  }
0x9d: {  	[timem:s7], [sflag:s22] =	dma.local [hbm:s5], s20  }
0x9e: {  	_ =	swait.ge [sflag:s22], s20  }
0x9f: {  	s4 =	ssub.s32 $0x0, s20;
	[sflag:s22] =	ssyncset.done $0x0  }
0xa0: {  	[sflag:s22] =	ssyncadd.s32 s4;
	_ =	sdelay $0x1  }
0xa1: {  	s23 =	simm.s32 $0x1B8B  }
0xa2: {  	_ =	swait.ge [sflag:s23], $0x1  }
0xa3: {  	[sflag:s23] =	ssyncset.done $0x0  }
0xa4: {  	s25 =	simm.s32 $0x1B8E;
	s24 =	sld [smem:$0x3FFE];
	[sflag:s23] =	ssyncadd.s32 $0xFFFFFFFF  }
0xa5: {  	s26 =	simm.s32 $execute0_lowered;
	[smem:$0x3FD2] =	sst s25  }
0xa6: {  	s5 =	sshll.u32 s26, $0x1;
	_ =	strace $0x80000046;
	[dreg:$0x1] =	wrdreg $0xFFFFFFFF  }
0xa7: {  	s28 =	simm.s32 $_size_execute0_lowered;
	s3 =	sadd.s32 s3, s5;
	[dreg:$0x0] =	wrdreg $0x0  }
0xa8: {  	s5 =	sshll.u32 s28, $0x1;
	[dreg:$0x2] =	wrdreg s3  }
0xa9: {  	[dreg:$0x3] =	wrdreg s5  }
0xaa: {  	[dreg:$0x4] =	wrdreg $0xC0  }
0xab: {  	_ =	task [dreg:s7], $0x5FFFF  }
0xac: {  	[dreg:$0x1] =	wrdreg $0xFFFFFFFF  }
0xad: {  	[dreg:$0x0] =	wrdreg $0x60  }
0xae: {  	[dreg:$0x2] =	wrdreg s2  }
0xaf: {  	[dreg:$0x3] =	wrdreg s24  }
0xb0: {  	[dreg:$0x4] =	wrdreg $0x9  }
0xb1: {  	_ =	task.clear_ibuf [dreg:s7], $0x5FFFF;
	_ =	strace $0x90000046  }
0xb2: {  	s29 =	simm.s32 $0x9;
	_ =	strace $0x80000048  }
0xb3: {  	_ =	swait.ge [sflag:s29], $0x1  }
0xb4: {  	[sflag:s29] =	ssyncadd.s32 $0xFFFFFFFF  }
0xb5: {  	_ =	strace $0x90000048  }
0xb6: {  	_ =	sfence  }
0xb7: {  	s30 =	sld [smem:$0x0];
	_ =	sdelay $0x2  }
0xb8: {  	s31 =	sshll.u32 s1, $0xD;
	s1 =	sshrl.u32 s1, $0x2  }
0xb9: {  	s3 =	sand.u32 $0x4000, s31;
	s1 =	sadd.s32 s1, s30  }
0xba: {  	s0 =	sor.u32 s3, s0;
	s1 =	sshll.u32 s1, $0x11  }
0xbb: {  	s0 =	sor.u32 s1, s0  }
0xbc: {  	s0 =	sadd.s32 $0x8F2B, s0  }
0xbd: {  	[sflag:s0] =	ssyncadd.remote.s32 $0x1  }
0xbe: {  	_ =	sfence.sel $0xFFFF  }
0xbf: {  	[dreg:$0x0] =	wrdreg $0xFFFFFFFF;
	(pc) =	sbr.abs _section_cstart, $3  }
0xc0: {  	[dreg:$0x1] =	wrdreg $0xFFFFFFFF  }
0xc1: {  	_ =	task.clear_ibuf [dreg:s7], $0x2FFFF;
	_ =	strace $0x9FFFFFFF  }
0xc2: {  	(tm) =	ssettm $0x7FFFFFFF  }
0xc3: {  	_ =	shalt  }
tec
execute0_lowered:
.L_overlay_start_1:
0x0: {  	(tag) =	ssettag $0x1  }
0x1: {  	s2 =	rddreg [dreg:$0x0];
	s1 =	srdreg.scid  }
0x2: {  	s0 =	stileid.u32;
	s4 =	rddreg [dreg:$0x1];
	s10 =	simm.s32 $0x1  }
0x3: {  	s11 =	simm.s32 $0x2;
	s12 =	simm.s32 $0x80;
	s13 =	simm.s32 $0x400  }
0x4: {  	s14 =	simm.s32 $0x15000;
	s15 =	simm.s32 $0x3;
	s16 =	simm.s32 $0x0  }
0x5: {  	s5 =	sand.u32 $0x1, s1;
	s3 =	sshll.u32 s0, $0x1;
	s1 =	rddreg [dreg:$0x2]  }
0x6: {  	s7 =	sshrl.u32 s0, $0x2;
	s6 =	sor.u32 s5, s3;
	s3 =	simm.s32 $0x0  }
0x7: {  	s7 =	smul.u32 $0xC00, s7;
	s5 =	ssub.s32 $0x2, s5;
	s8 =	sshll.u32 s6, $0x7  }
0x8: {  	[smem:$0x7FF] =	sst s3;
	s9 =	smul.u32 $0x93000, s6;
	s31 =	sshrl.u32 s5, $0x1  }
0x9: {  	s6 =	smul.u32 $0x7, s6;
	s8 =	sand.u32 $0x380, s8;
	_ =	strace $0x80000047  }
0xa: {  	s7 =	sor.u32 s7, s8;
	s30 =	sshrl.u32 s9, $0x3;
	s9 =	ssub.s32 s5, s31  }
0xb: {  	s6 =	sadd.s32 $0x1, s6;
	s7 =	sshrl.u32 s7, $0x3;
	s8 =	sadd.s32 s2, s30  }
0xc: {  	s7 =	sadd.s32 s7, s4;
	s4 =	sadd.s32 $0x6E4000, s8;
	s5 =	sadd.s32 $0x6E5500, s8  }
0xd: {  	s8 =	smax.u32 s9, $0x1;
	s9 =	simm.s32 $0xA800;
	s7 =	sadd.s32 $0x1E00, s7  }
.LBB2_1:
0xe: {  	v11 =	vimm.f32 $0.0e+00;
	v0 =	vimm.f32 $0.0e+00;
	v1 =	vimm.f32 $0.0e+00  }
0xf: {  	v2 =	vimm.f32 $0.0e+00;
	v3 =	vimm.f32 $0.0e+00;
	v4 =	vimm.f32 $0.0e+00  }
0x10: {  	v5 =	vimm.f32 $0.0e+00;
	v6 =	vimm.f32 $0.0e+00;
	v7 =	vimm.f32 $0.0e+00  }
0x11: {  	v8 =	vimm.f32 $0.0e+00;
	v23 =	vimm.f32 $0.0e+00;
	v22 =	vimm.f32 $0.0e+00  }
0x12: {  	v21 =	vimm.f32 $0.0e+00;
	v20 =	vimm.f32 $0.0e+00;
	v19 =	vimm.f32 $0.0e+00  }
0x13: {  	[tilespmem:s3], [sflag:$0x1] =	stream.linear.gather [hbm4b:s4+s3], $0xA800, $0x38;
	v18 =	vimm.f32 $0.0e+00;
	v17 =	vimm.f32 $0.0e+00;
	v16 =	vimm.f32 $0.0e+00;
	[tilespmem:$0x15180] =	vst v63  }
0x14: {  	v15 =	vimm.f32 $0.0e+00;
	v14 =	vimm.f32 $0.0e+00;
	v13 =	vimm.f32 $0.0e+00;
	s17 =	simm.s32 $0x0  }
0x15: {  	v12 =	vimm.f32 $0.0e+00;
	v24 =	vimm.f32 $0.0e+00;
	v25 =	vimm.f32 $0.0e+00;
	[tilespmem:s9], [sflag:$0x2] =	stream.linear.gather [hbm4b:s5+s3], $0xA800, $0x38;
	[tilespmem:$0x15180] =	vst v63  }
.LBB2_2:
0x16: {  	p0 =	seq.s32 s17, $0x6  }
0x17: {  	s18 =	sadd.s32 @!p0 s17, s6  }
0x18: {  	s18 =	smul.u32 @!p0 $0x15000, s18;
	_ =	sdelay $0x1  }
0x19: {  	_ =	swait.ge [sflag:s10], $0xA800;
	s18 =	sshrl.u32 @!p0 s18, $0x3  }
0x1a: {  	s31 =	simm.s32 $0x0;
	[sflag:s10] =	ssyncset.done $0x0;
	s18 =	sadd.s32 @!p0 s2, s18  }
0x1b: {  	s20 =	simm.s32 @!p0 $0x0;
	[sflag:s10] =	ssyncadd.s32 $0xFFFF5800;
	s19 =	sadd.s32 @!p0 $0x6E4000, s18  }
0x1c: {  	[tilespmem:s20], [sflag:$0x1] =	stream.linear.gather @!p0 [hbm4b:s19+s20], $0xA800, $0x38;
	[tilespmem:$0x15180] =	vst v63  }
0x1d: {  	s19 =	smul.u32 $0x3000, s31  }
0x1e: {  	s20 =	simm.s32 $0x0  }
0x1f: {  	s21 =	sand.u32 $0x380, s20;
	s19 =	sshra.s32 s19, $0x2  }
0x20: {  	s19 =	sor.u32 s21, s19  }
0x21: {  	v9 =	vld [tilespmem:s19+$0x870]  }
0x22: {  	v10 =	vld [tilespmem:s19+$0x0]  }
0x23: {  	v26 =	vld [tilespmem:s19+$0x10]  }
0x24: {  	v27 =	vld [tilespmem:s19+$0x20]  }
0x25: {  	v28 =	vld [tilespmem:s19+$0x30]  }
0x26: {  	v29 =	vld [tilespmem:s19+$0x40]  }
0x27: {  	v30 =	vld [tilespmem:s19+$0x50]  }
0x28: {  	v31 =	vld [tilespmem:s19+$0x60]  }
0x29: {  	v32 =	vld [tilespmem:s19+$0x70]  }
0x2a: {  	v33 =	vld [tilespmem:s19+$0x400]  }
0x2b: {  	v34 =	vld [tilespmem:s19+$0x410]  }
0x2c: {  	v35 =	vld [tilespmem:s19+$0x420]  }
0x2d: {  	v36 =	vld [tilespmem:s19+$0x430];
	v9 =	vadd.f32 v9, v11  }
0x2e: {  	v37 =	vld [tilespmem:s19+$0x440];
	v10 =	vadd.f32 v10, v25;
	v11 =	vadd.f32 v26, v24  }
0x2f: {  	v12 =	vadd.f32 v27, v12;
	v13 =	vadd.f32 v28, v13;
	v28 =	vld [tilespmem:s19+$0x450]  }
0x30: {  	v14 =	vadd.f32 v29, v14;
	v15 =	vadd.f32 v30, v15;
	v24 =	vld [tilespmem:s19+$0x460]  }
0x31: {  	v16 =	vadd.f32 v31, v16;
	v17 =	vadd.f32 v32, v17;
	v26 =	vld [tilespmem:s19+$0x470]  }
0x32: {  	v18 =	vadd.f32 v33, v18;
	v19 =	vadd.f32 v34, v19;
	v25 =	vld [tilespmem:s19+$0x800]  }
0x33: {  	v20 =	vadd.f32 v35, v20;
	v21 =	vadd.f32 v36, v21;
	v27 =	vld [tilespmem:s19+$0x810]  }
0x34: {  	s22 =	simm.s32 $0x0;
	s21 =	simm.s32 $0x2;
	v22 =	vadd.f32 v37, v22;
	v23 =	vadd.f32 v28, v23;
	v28 =	vld [tilespmem:s19+$0x820]  }
.LBB2_3:
0x35: {  	p1 =	sne.s32 s21, $0x6F;
	s22 =	smul.u32 $0x3000, s22;
	v8 =	vadd.f32 v24, v8;
	v24 =	vld [tilespmem:s19+$0x830]  }
0x36: {  	s20 =	sadd.s32 $0x80, s20;
	v7 =	vadd.f32 v26, v7;
	v26 =	vld [tilespmem:s19+$0x840]  }
0x37: {  	s23 =	sand.u32 $0x380, s20;
	s22 =	sshra.s32 s22, $0x2;
	v6 =	vadd.f32 v25, v6;
	v25 =	vld [tilespmem:s19+$0x850]  }
0x38: {  	v5 =	vadd.f32 v27, v5;
	v27 =	vld [tilespmem:s19+$0x860];
	s19 =	sor.u32 s23, s22  }
0x39: {  	v29 =	vld [tilespmem:s19+$0x870];
	v4 =	vadd.f32 v28, v4  }
0x3a: {  	v28 =	vld [tilespmem:s19+$0x0];
	v3 =	vadd.f32 v24, v3  }
0x3b: {  	v24 =	vld [tilespmem:s19+$0x10];
	v2 =	vadd.f32 v26, v2  }
0x3c: {  	v26 =	vld [tilespmem:s19+$0x20];
	v1 =	vadd.f32 v25, v1  }
0x3d: {  	v25 =	vld [tilespmem:s19+$0x30];
	v0 =	vadd.f32 v27, v0  }
0x3e: {  	v27 =	vld [tilespmem:s19+$0x40];
	v9 =	vadd.f32 v29, v9  }
0x3f: {  	v10 =	vadd.f32 v28, v10;
	v28 =	vld [tilespmem:s19+$0x50]  }
0x40: {  	v11 =	vadd.f32 v24, v11;
	v24 =	vld [tilespmem:s19+$0x60]  }
0x41: {  	v12 =	vadd.f32 v26, v12;
	v26 =	vld [tilespmem:s19+$0x70]  }
0x42: {  	v13 =	vadd.f32 v25, v13;
	v25 =	vld [tilespmem:s19+$0x400]  }
0x43: {  	v14 =	vadd.f32 v27, v14;
	v27 =	vld [tilespmem:s19+$0x410]  }
0x44: {  	v15 =	vadd.f32 v28, v15;
	v28 =	vld [tilespmem:s19+$0x420]  }
0x45: {  	v16 =	vadd.f32 v24, v16;
	v29 =	vld [tilespmem:s19+$0x430]  }
0x46: {  	v17 =	vadd.f32 v26, v17;
	v30 =	vld [tilespmem:s19+$0x440]  }
0x47: {  	v18 =	vadd.f32 v25, v18;
	v31 =	vld [tilespmem:s19+$0x450]  }
.Ltmp0:
0x48: {  	v19 =	vadd.f32 v27, v19;
	v24 =	vld [tilespmem:s19+$0x460];
	(pc) =	sbr.rel @p1 .LBB2_3-.Ltmp0, $4  }
0x49: {  	v20 =	vadd.f32 v28, v20;
	v26 =	vld [tilespmem:s19+$0x470]  }
0x4a: {  	v21 =	vadd.f32 v29, v21;
	v25 =	vld [tilespmem:s19+$0x800]  }
0x4b: {  	v22 =	vadd.f32 v30, v22;
	v27 =	vld [tilespmem:s19+$0x810]  }
0x4c: {  	s22 =	sshrl.u32 s21, $0x3;
	s21 =	sadd.s32 $0x1, s21;
	v23 =	vadd.f32 v31, v23;
	v28 =	vld [tilespmem:s19+$0x820]  }
0x4d: {  	s21 =	smul.u32 $0x3000, s22;
	v29 =	vld [tilespmem:s19+$0x830]  }
0x4e: {  	v30 =	vld [tilespmem:s19+$0x840];
	s20 =	sadd.s32 $0x80, s20  }
0x4f: {  	v31 =	vld [tilespmem:s19+$0x850];
	s20 =	sand.u32 $0x380, s20;
	s21 =	sshra.s32 s21, $0x2  }
0x50: {  	v32 =	vld [tilespmem:s19+$0x860];
	s20 =	sor.u32 s20, s21  }
0x51: {  	v33 =	vld [tilespmem:s20+$0x870]  }
0x52: {  	v34 =	vld [tilespmem:s20+$0x0]  }
0x53: {  	v35 =	vld [tilespmem:s20+$0x10]  }
0x54: {  	v36 =	vld [tilespmem:s20+$0x20]  }
0x55: {  	v37 =	vld [tilespmem:s20+$0x30]  }
0x56: {  	v38 =	vld [tilespmem:s20+$0x40]  }
0x57: {  	v39 =	vld [tilespmem:s20+$0x50]  }
0x58: {  	v40 =	vld [tilespmem:s20+$0x60]  }
0x59: {  	v41 =	vld [tilespmem:s20+$0x70]  }
0x5a: {  	v42 =	vld [tilespmem:s20+$0x400]  }
0x5b: {  	v43 =	vld [tilespmem:s20+$0x410]  }
0x5c: {  	v44 =	vld [tilespmem:s20+$0x420]  }
0x5d: {  	v45 =	vld [tilespmem:s20+$0x430]  }
0x5e: {  	v46 =	vld [tilespmem:s20+$0x440]  }
0x5f: {  	v47 =	vld [tilespmem:s20+$0x450]  }
0x60: {  	v48 =	vld [tilespmem:s20+$0x460]  }
0x61: {  	v49 =	vld [tilespmem:s20+$0x470]  }
0x62: {  	v50 =	vld [tilespmem:s20+$0x800]  }
0x63: {  	v51 =	vld [tilespmem:s20+$0x810]  }
0x64: {  	v52 =	vld [tilespmem:s20+$0x820]  }
0x65: {  	v53 =	vld [tilespmem:s20+$0x830]  }
0x66: {  	v54 =	vld [tilespmem:s20+$0x840]  }
0x67: {  	v55 =	vld [tilespmem:s20+$0x850]  }
0x68: {  	s18 =	sadd.s32 @!p0 $0x6E5500, s18;
	v56 =	vld [tilespmem:s20+$0x860];
	_ =	swait.ge [sflag:s11], $0xA800  }
0x69: {  	s19 =	simm.s32 @!p0 $0x0;
	s29 =	simm.s32 $0x0;
	[sflag:s11] =	ssyncset.done $0x0  }
0x6a: {  	s30 =	smul.u32 $0x3000, s29;
	s20 =	simm.s32 @!p0 $0xA800;
	[sflag:s11] =	ssyncadd.s32 $0xFFFF5800  }
0x6b: {  	v8 =	vadd.f32 v24, v8;
	v7 =	vadd.f32 v26, v7;
	[tilespmem:s20], [sflag:$0x2] =	stream.linear.gather @!p0 [hbm4b:s18+s19], $0xA800, $0x38;
	[tilespmem:$0x15180] =	vst v63  }
0x6c: {  	v6 =	vadd.f32 v25, v6;
	v5 =	vadd.f32 v27, v5;
	s18 =	simm.s32 $0x0  }
0x6d: {  	v4 =	vadd.f32 v28, v4;
	v3 =	vadd.f32 v29, v3;
	s19 =	sshra.s32 s30, $0x2;
	s31 =	sand.u32 $0x380, s18  }
0x6e: {  	v24 =	vadd.f32 v30, v2;
	v25 =	vadd.f32 v31, v1;
	s19 =	sor.u32 s31, s19  }
0x6f: {  	v26 =	vadd.f32 v32, v0;
	v9 =	vadd.f32 v33, v9;
	v27 =	vld [tilespmem:s19+$0xB070]  }
0x70: {  	v10 =	vadd.f32 v34, v10;
	v28 =	vadd.f32 v35, v11;
	v29 =	vld [tilespmem:s19+$0xA800]  }
0x71: {  	v30 =	vadd.f32 v36, v12;
	v31 =	vadd.f32 v37, v13;
	v32 =	vld [tilespmem:s19+$0xA810]  }
0x72: {  	v33 =	vadd.f32 v38, v14;
	v34 =	vadd.f32 v39, v15;
	v35 =	vld [tilespmem:s19+$0xA820]  }
0x73: {  	v36 =	vadd.f32 v40, v16;
	v37 =	vadd.f32 v41, v17;
	v57 =	vld [tilespmem:s19+$0xA830]  }
0x74: {  	v58 =	vadd.f32 v42, v18;
	v59 =	vadd.f32 v43, v19;
	v18 =	vld [tilespmem:s19+$0xA840]  }
0x75: {  	v60 =	vadd.f32 v44, v20;
	v61 =	vadd.f32 v45, v21;
	v19 =	vld [tilespmem:s19+$0xA850]  }
0x76: {  	v22 =	vadd.f32 v46, v22;
	v23 =	vadd.f32 v47, v23;
	v20 =	vld [tilespmem:s19+$0xA860]  }
0x77: {  	v11 =	vadd.f32 v48, v8;
	v0 =	vadd.f32 v49, v7;
	v8 =	vld [tilespmem:s19+$0xA870]  }
0x78: {  	v12 =	vadd.f32 v50, v6;
	v1 =	vadd.f32 v51, v5;
	v21 =	vld [tilespmem:s19+$0xAC00]  }
0x79: {  	v13 =	vadd.f32 v52, v4;
	v2 =	vadd.f32 v53, v3;
	v62 =	vld [tilespmem:s19+$0xAC10]  }
0x7a: {  	v14 =	vadd.f32 v54, v24;
	v3 =	vadd.f32 v55, v25;
	v63 =	vld [tilespmem:s19+$0xAC20]  }
0x7b: {  	v15 =	vadd.f32 v56, v26;
	v4 =	vadd.f32 v27, v9;
	v27 =	vld [tilespmem:s19+$0xAC30]  }
0x7c: {  	v16 =	vadd.f32 v29, v10;
	v5 =	vadd.f32 v32, v28;
	v28 =	vld [tilespmem:s19+$0xAC40]  }
0x7d: {  	v17 =	vadd.f32 v35, v30;
	v6 =	vadd.f32 v57, v31;
	v29 =	vld [tilespmem:s19+$0xAC50]  }
0x7e: {  	v24 =	vld [tilespmem:s19+$0xAC60];
	v18 =	vadd.f32 v18, v33;
	v7 =	vadd.f32 v19, v34  }
0x7f: {  	v26 =	vld [tilespmem:s19+$0xAC70];
	v19 =	vadd.f32 v20, v36;
	v8 =	vadd.f32 v8, v37  }
0x80: {  	v25 =	vld [tilespmem:s19+$0xB000];
	v20 =	vadd.f32 v21, v58;
	v9 =	vadd.f32 v62, v59  }
0x81: {  	v21 =	vadd.f32 v63, v60;
	v10 =	vadd.f32 v27, v61;
	v27 =	vld [tilespmem:s19+$0xB010]  }
0x82: {  	s21 =	simm.s32 $0x0;
	s20 =	simm.s32 $0x2;
	v22 =	vadd.f32 v28, v22;
	v23 =	vadd.f32 v29, v23;
	v28 =	vld [tilespmem:s19+$0xB020]  }
.LBB2_5:
0x83: {  	p0 =	sne.s32 s20, $0x6F;
	s21 =	smul.u32 $0x3000, s21;
	v11 =	vadd.f32 v24, v11;
	v24 =	vld [tilespmem:s19+$0xB030]  }
0x84: {  	s18 =	sadd.s32 $0x80, s18;
	v0 =	vadd.f32 v26, v0;
	v26 =	vld [tilespmem:s19+$0xB040]  }
0x85: {  	s22 =	sand.u32 $0x380, s18;
	s21 =	sshra.s32 s21, $0x2;
	v12 =	vadd.f32 v25, v12;
	v25 =	vld [tilespmem:s19+$0xB050]  }
0x86: {  	v1 =	vadd.f32 v27, v1;
	v27 =	vld [tilespmem:s19+$0xB060];
	s19 =	sor.u32 s22, s21  }
0x87: {  	v29 =	vld [tilespmem:s19+$0xB070];
	v13 =	vadd.f32 v28, v13  }
0x88: {  	v28 =	vld [tilespmem:s19+$0xA800];
	v2 =	vadd.f32 v24, v2  }
0x89: {  	v24 =	vld [tilespmem:s19+$0xA810];
	v14 =	vadd.f32 v26, v14  }
0x8a: {  	v26 =	vld [tilespmem:s19+$0xA820];
	v3 =	vadd.f32 v25, v3  }
0x8b: {  	v25 =	vld [tilespmem:s19+$0xA830];
	v15 =	vadd.f32 v27, v15  }
0x8c: {  	v27 =	vld [tilespmem:s19+$0xA840];
	v4 =	vadd.f32 v29, v4  }
0x8d: {  	v16 =	vadd.f32 v28, v16;
	v28 =	vld [tilespmem:s19+$0xA850]  }
0x8e: {  	v5 =	vadd.f32 v24, v5;
	v24 =	vld [tilespmem:s19+$0xA860]  }
0x8f: {  	v17 =	vadd.f32 v26, v17;
	v26 =	vld [tilespmem:s19+$0xA870]  }
0x90: {  	v6 =	vadd.f32 v25, v6;
	v25 =	vld [tilespmem:s19+$0xAC00]  }
0x91: {  	v18 =	vadd.f32 v27, v18;
	v27 =	vld [tilespmem:s19+$0xAC10]  }
0x92: {  	v7 =	vadd.f32 v28, v7;
	v28 =	vld [tilespmem:s19+$0xAC20]  }
0x93: {  	v19 =	vadd.f32 v24, v19;
	v29 =	vld [tilespmem:s19+$0xAC30]  }
0x94: {  	v8 =	vadd.f32 v26, v8;
	v30 =	vld [tilespmem:s19+$0xAC40]  }
0x95: {  	v20 =	vadd.f32 v25, v20;
	v31 =	vld [tilespmem:s19+$0xAC50]  }
.Ltmp1:
0x96: {  	v9 =	vadd.f32 v27, v9;
	v24 =	vld [tilespmem:s19+$0xAC60];
	(pc) =	sbr.rel @p0 .LBB2_5-.Ltmp1, $4  }
0x97: {  	v21 =	vadd.f32 v28, v21;
	v26 =	vld [tilespmem:s19+$0xAC70]  }
0x98: {  	v10 =	vadd.f32 v29, v10;
	v25 =	vld [tilespmem:s19+$0xB000]  }
0x99: {  	v22 =	vadd.f32 v30, v22;
	v27 =	vld [tilespmem:s19+$0xB010]  }
0x9a: {  	s21 =	sshrl.u32 s20, $0x3;
	s20 =	sadd.s32 $0x1, s20;
	v23 =	vadd.f32 v31, v23;
	v28 =	vld [tilespmem:s19+$0xB020]  }
0x9b: {  	s20 =	smul.u32 $0x3000, s21;
	v29 =	vld [tilespmem:s19+$0xB030]  }
0x9c: {  	v30 =	vld [tilespmem:s19+$0xB040];
	s18 =	sadd.s32 $0x80, s18  }
0x9d: {  	v31 =	vld [tilespmem:s19+$0xB050];
	s18 =	sand.u32 $0x380, s18;
	s20 =	sshra.s32 s20, $0x2  }
0x9e: {  	v32 =	vld [tilespmem:s19+$0xB060];
	s18 =	sor.u32 s18, s20  }
0x9f: {  	v33 =	vld [tilespmem:s18+$0xB070]  }
0xa0: {  	v34 =	vld [tilespmem:s18+$0xA800]  }
0xa1: {  	v35 =	vld [tilespmem:s18+$0xA810]  }
0xa2: {  	v36 =	vld [tilespmem:s18+$0xA820]  }
0xa3: {  	v37 =	vld [tilespmem:s18+$0xA830]  }
0xa4: {  	v38 =	vld [tilespmem:s18+$0xA840]  }
0xa5: {  	v39 =	vld [tilespmem:s18+$0xA850]  }
0xa6: {  	v40 =	vld [tilespmem:s18+$0xA860]  }
0xa7: {  	v41 =	vld [tilespmem:s18+$0xA870]  }
0xa8: {  	v42 =	vld [tilespmem:s18+$0xAC00]  }
0xa9: {  	v43 =	vld [tilespmem:s18+$0xAC10]  }
0xaa: {  	v44 =	vld [tilespmem:s18+$0xAC20]  }
0xab: {  	v45 =	vadd.f32 v24, v11;
	v46 =	vld [tilespmem:s18+$0xAC30]  }
0xac: {  	v0 =	vadd.f32 v26, v0;
	v26 =	vadd.f32 v25, v12;
	v47 =	vld [tilespmem:s18+$0xAC40]  }
0xad: {  	v1 =	vadd.f32 v27, v1;
	v27 =	vadd.f32 v28, v13;
	v58 =	vld [tilespmem:s18+$0xAC50]  }
0xae: {  	v60 =	vld [tilespmem:s18+$0xAC60];
	v2 =	vadd.f32 v29, v2;
	v59 =	vadd.f32 v30, v14  }
0xaf: {  	v61 =	vld [tilespmem:s18+$0xB020];
	v31 =	vadd.f32 v31, v3;
	v32 =	vadd.f32 v32, v15  }
0xb0: {  	v62 =	vld [tilespmem:s18+$0xB030];
	v11 =	vadd.f32 v33, v4;
	v25 =	vadd.f32 v34, v16  }
0xb1: {  	v63 =	vld [tilespmem:s18+$0xB040];
	v24 =	vadd.f32 v35, v5;
	v12 =	vadd.f32 v36, v17  }
0xb2: {  	v3 =	vld [tilespmem:s18+$0xAC70];
	v13 =	vadd.f32 v37, v6;
	v14 =	vadd.f32 v38, v18  }
0xb3: {  	v4 =	vld [tilespmem:s18+$0xB000];
	v15 =	vadd.f32 v39, v7;
	v16 =	vadd.f32 v40, v19  }
0xb4: {  	v5 =	vld [tilespmem:s18+$0xB010];
	v17 =	vadd.f32 v41, v8;
	v18 =	vadd.f32 v42, v20  }
0xb5: {  	s17 =	sadd.s32 $0x1, s17;
	v19 =	vadd.f32 v43, v9;
	v20 =	vadd.f32 v44, v21;
	v9 =	vld [tilespmem:s18+$0xB050]  }
0xb6: {  	p0 =	sne.s32 s17, $0x7;
	v21 =	vadd.f32 v46, v10;
	v22 =	vadd.f32 v47, v22;
	v10 =	vld [tilespmem:s18+$0xB060]  }
.Ltmp2:
0xb7: {  	v23 =	vadd.f32 v58, v23;
	v8 =	vadd.f32 v60, v45;
	(pc) =	sbr.rel @p0 .LBB2_2-.Ltmp2, $4  }
0xb8: {  	v7 =	vadd.f32 v3, v0;
	v3 =	vadd.f32 v62, v2  }
0xb9: {  	v2 =	vadd.f32 v63, v59;
	v6 =	vadd.f32 v4, v26  }
0xba: {  	v5 =	vadd.f32 v5, v1;
	v4 =	vadd.f32 v61, v27  }
0xbb: {  	v1 =	vadd.f32 v9, v31;
	v0 =	vadd.f32 v10, v32  }
0xbc: {  	[tilespmem:$0x15000] =	vst v25  }
0xbd: {  	[tilespmem:$0x15010] =	vst v24  }
0xbe: {  	[tilespmem:$0x15020] =	vst v12  }
0xbf: {  	[tilespmem:$0x15030] =	vst v13  }
0xc0: {  	[tilespmem:$0x15040] =	vst v14  }
0xc1: {  	[tilespmem:$0x15050] =	vst v15  }
0xc2: {  	[tilespmem:$0x15060] =	vst v16  }
0xc3: {  	[tilespmem:$0x15070] =	vst v17  }
0xc4: {  	[tilespmem:$0x15080] =	vst v18  }
0xc5: {  	[tilespmem:$0x15090] =	vst v19  }
0xc6: {  	[tilespmem:$0x150A0] =	vst v20  }
0xc7: {  	[tilespmem:$0x150B0] =	vst v21  }
0xc8: {  	[tilespmem:$0x150C0] =	vst v22  }
0xc9: {  	[tilespmem:$0x150D0] =	vst v23  }
0xca: {  	[tilespmem:$0x150E0] =	vst v8  }
0xcb: {  	[tilespmem:$0x150F0] =	vst v7  }
0xcc: {  	[tilespmem:$0x15100] =	vst v6  }
0xcd: {  	[tilespmem:$0x15110] =	vst v5  }
0xce: {  	[tilespmem:$0x15120] =	vst v4  }
0xcf: {  	[tilespmem:$0x15130] =	vst v3  }
0xd0: {  	[tilespmem:$0x15140] =	vst v2  }
0xd1: {  	[tilespmem:$0x15170] =	vst v11;
	s16 =	sadd.s32 $0x1, s16  }
0xd2: {  	[tilespmem:$0x15150] =	vst v1;
	p0 =	sne.s32 s16, s8  }
.Ltmp3:
0xd3: {  	[tilespmem:$0x15160] =	vst v0;
	(pc) =	sbr.rel @p0 .LBB2_1-.Ltmp3, $4  }
0xd4: {  	[hbm4b:s7+s12] =	stream.strided.scatter [tilespmem:s14], [sflag:$0x3], $0x180, s13, s12, $0x38;
	[tilespmem:$0x15180] =	vst v63  }
0xd5: {  	_ =	swait.ge [sflag:s15], $0x180  }
0xd6: {  	[sflag:s15] =	ssyncset.done $0x0  }
0xd7: {  	[sflag:s15] =	ssyncadd.s32 $0xFFFFFE80  }
0xd8: {  	_ =	sfence.sel $0x180000  }
0xd9: {  	[bflag:$0x0] =	sbarrier.arrive $0xFFFF  }
0xda: {  	p0 =	sne.s32 s0, $0x0;
	_ =	strace $0x90000047  }
0xdb: {  	s0 =	sadd.s32 @!p0 $0x100000, s1;
	[bflag:$0x2] =	sbarrier.arrive $0xFFFF  }
0xdc: {  	[sflag:s0] =	ssyncadd.tile.s32 @!p0 $0x1;
	_ =	shalt  }
.Lfunc_end2:
_tile_overlayer_lowered:
.L_overlay_start_2:
0xdd: {  	(tag) =	ssettag $0x2  }
0xde: {  	s0 =	rddreg [dreg:$0x0];
	s2 =	stileid.u32  }
0xdf: {  	s1 =	rddreg [dreg:$0x1];
	p0 =	sne.s32 s2, $0x0  }
0xe0: {  	s3 =	rddreg [dreg:$0x2];
	[bflag:$0x3] =	sbarrier.arrive $0xFFFF;
	s2 =	simm.s32 @!p0 $0x1C03  }
0xe1: {  	[timem:s3], [sflag:s2] =	dma.local @!p0 [hbm:s0], s1  }
0xe2: {  	s0 =	simm.s32 @!p0 $0x3  }
0xe3: {  	_ =	swait.ge @!p0 [sflag:s0], s1  }
0xe4: {  	s1 =	ssub.s32 @!p0 $0x0, s1;
	[sflag:s0] =	ssyncset.done @!p0 $0x0  }
0xe5: {  	[sflag:s0] =	ssyncadd.s32 @!p0 s1  }
0xe6: {  	[bflag:$0x3] =	sbarrier.arrive $0xFFFF  }
0xe7: {  	_ =	shalt  }

</sc_bundles>
